<compile_context>
chip_gen: v7x
topology: tpu7x:2x2x1
jax: 0.10.2.dev20260603
libtpu: 0.0.44.dev20260713+nightly
codegen_flags: <defaults>
</compile_context>

<pallas_src>
import functools

import jax
import jax.numpy as jnp
from jax import lax
from jax.experimental import pallas as pl
from jax.experimental.pallas import tpu as pltpu
from jax.experimental.pallas import tpu_sc as plsc

_LANES = 16
_NC = 2
_NS = 16
_NW = _NC * _NS
_BLK = 128


def _mm_body(x_ref, w_ref, e_ref, *out_refs):
    o = w_ref.shape[0]
    z = lax.dot_general(
        w_ref[...], x_ref[...],
        dimension_numbers=(((1,), (1,)), ((), ())),
        preferred_element_type=jnp.float32,
    )
    t = jnp.exp(jnp.clip(z + z, -30.0, 30.0))
    for k in range(o):
        out_refs[k][...] = t[k, :]
    out_refs[o][...] = e_ref[0, :]
    out_refs[o + 1][...] = e_ref[1, :]


def _dense_stage(x, edge_index, W):
    n, _ = x.shape
    e = edge_index.shape[1]
    o = W.shape[0]
    outs = tuple(jax.ShapeDtypeStruct((n,), jnp.float32) for _ in range(o))
    outs += (jax.ShapeDtypeStruct((e,), jnp.int32),
             jax.ShapeDtypeStruct((e,), jnp.int32))
    return pl.pallas_call(
        _mm_body,
        out_shape=outs,
    )(x, W, edge_index)


def _make_sc_stage(n, e, o):
    nblk = e // _BLK
    nb_lo = nblk // _NW
    n_hi = nblk - nb_lo * _NW
    nb_hi = nb_lo + 1
    ew_hi = nb_hi * _BLK
    half = (o // 2) * e
    mesh = plsc.VectorSubcoreMesh(core_axis_name="c", subcore_axis_name="s")

    @functools.partial(
        pl.kernel,
        mesh=mesh,
        compiler_params=pltpu.CompilerParams(needs_layout_passes=False),
        out_type=jax.ShapeDtypeStruct((e * o,), jnp.float32),
        scratch_types=[
            pltpu.VMEM((n,), jnp.float32),
            pltpu.VMEM((n,), jnp.float32),
            pltpu.VMEM((n,), jnp.float32),
            pltpu.VMEM((n,), jnp.float32),
            pltpu.VMEM((ew_hi,), jnp.int32),
            pltpu.VMEM((ew_hi,), jnp.int32),
            pltpu.VMEM((nb_hi * 2 * _BLK,), jnp.float32),
            pltpu.VMEM((nb_hi * 2 * _BLK,), jnp.float32),
        ],
    )
    def sc_edge_tanh(t0_hbm, t1_hbm, t2_hbm, t3_hbm, row_hbm, col_hbm, out_hbm,
                     t0_v, t1_v, t2_v, t3_v, row_v, col_v, ob0, ob1):
        wid = lax.axis_index("s") * _NC + lax.axis_index("c")
        pltpu.sync_copy(t0_hbm, t0_v)
        pltpu.sync_copy(t1_hbm, t1_v)
        pltpu.sync_copy(t2_hbm, t2_v)
        pltpu.sync_copy(t3_hbm, t3_v)
        tabs = (t0_v, t1_v, t2_v, t3_v)

        def body(nb, base_blk):
            ew = nb * _BLK
            base = base_blk * _BLK
            pltpu.sync_copy(row_hbm.at[pl.ds(base, ew)],
                            row_v.at[pl.ds(0, ew)])
            pltpu.sync_copy(col_hbm.at[pl.ds(base, ew)],
                            col_v.at[pl.ds(0, ew)])

            @plsc.parallel_loop(0, nb * 8, unroll=8)
            def step(i):
                off = i * _LANES
                ridx = row_v[pl.ds(off, _LANES)]
                cidx = col_v[pl.ds(off, _LANES)]
                ob_off = off + (i // 8) * _BLK
                for i1, ob in ((0, ob0), (1, ob1)):
                    for i2 in range(2):
                        tv = tabs[i1 * 2 + i2]
                        m = (plsc.load_gather(tv, [ridx])
                             * plsc.load_gather(tv, [cidx]))
                        ob[pl.ds(ob_off + i2 * _BLK, _LANES)] = 1.0 - 2.0 / (m + 1.0)

            for i1, ob in ((0, ob0), (1, ob1)):
                pltpu.sync_copy(
                    ob.at[pl.ds(0, nb * 2 * _BLK)],
                    out_hbm.at[pl.ds(i1 * half + base_blk * 2 * _BLK,
                                     nb * 2 * _BLK)])

        @pl.when(wid < n_hi)
        def _hi():
            body(nb_hi, wid * nb_hi)

        @pl.when(wid >= n_hi)
        def _lo():
            body(nb_lo, n_hi * nb_hi + (wid - n_hi) * nb_lo)

    return sc_edge_tanh


def kernel(x, edge_index, W):
    n = x.shape[0]
    o = W.shape[0]
    e = edge_index.shape[1]
    parts = _dense_stage(x, edge_index, W)
    out_f = _make_sc_stage(n, e, o)(*parts)
    nblk = e // _BLK
    return (out_f.reshape(2, nblk, 2, _BLK)
            .transpose(1, 3, 0, 2)
            .reshape(e, 2, 2))

# --- scband reference (transcript-rebuilt; emitter-appended) ---
"""Pipeline reference for scband-local-concat-sheaf-learner-variant-9174050144886 (READ-ONLY COPY).

The authoritative reference and input builder live on the scoring server;
editing this copy changes nothing except your own understanding.
"""

import jax, jax.numpy as jnp
import numpy as np

D = 2
HC = 64
OUT_SHAPE = (2, 2)
N = 10000
E = 320000


def setup_inputs(seed: int = 0) -> dict:
    key = jax.random.key(seed)
    k1, k2, k3 = jax.random.split(key, 3)
    x = jax.random.normal(k1, (N, D * HC), dtype=jnp.float32)
    edge_index = jax.random.randint(k2, (2, E), 0, N, dtype=jnp.int32)
    # Linear(hidden_channels*2 -> prod(out_shape)), bias=False; torch weight layout [out, in]
    W = jax.random.normal(k3, (int(np.prod(OUT_SHAPE)), HC * 2), dtype=jnp.float32) / np.sqrt(HC * 2)
    return {"x": x, "edge_index": edge_index, "W": W}


def reference(x, edge_index, W):
    row = edge_index[0]
    col = edge_index[1]
    x_row = jnp.take(x, row, axis=0)
    x_col = jnp.take(x, col, axis=0)
    x_cat = jnp.concatenate([x_row, x_col], axis=-1)  # [E, 2*D*HC]
    x_cat = x_cat.reshape(-1, D, HC * 2).sum(axis=1)  # [E, 2*HC]
    maps = jnp.tanh(x_cat @ W.T)                      # [E, prod(out_shape)]
    return maps.reshape(-1, OUT_SHAPE[0], OUT_SHAPE[1])

if __name__ == "__main__":
    import jax
    _d = setup_inputs()
    print(jax.jit(kernel)(*tuple(_d.values())))

</pallas_src>

<mosaic_0001>
#map = affine_map<(d0, d1) -> (0)>
module attributes {stable_mosaic.version = 14 : i64} {
  func.func @sc_edge_tanh(%arg0: i32, %arg1: i32, %arg2: memref<10000xf32, #tpu.memory_space<hbm>>, %arg3: memref<10000xf32, #tpu.memory_space<hbm>>, %arg4: memref<10000xf32, #tpu.memory_space<hbm>>, %arg5: memref<10000xf32, #tpu.memory_space<hbm>>, %arg6: memref<320000xi32, #tpu.memory_space<hbm>>, %arg7: memref<320000xi32, #tpu.memory_space<hbm>>, %arg8: memref<1280000xf32, #tpu.memory_space<hbm>>, %arg9: memref<10000xf32, #tpu.memory_space<vmem>>, %arg10: memref<10000xf32, #tpu.memory_space<vmem>>, %arg11: memref<10000xf32, #tpu.memory_space<vmem>>, %arg12: memref<10000xf32, #tpu.memory_space<vmem>>, %arg13: memref<10112xi32, #tpu.memory_space<vmem>>, %arg14: memref<10112xi32, #tpu.memory_space<vmem>>, %arg15: memref<20224xf32, #tpu.memory_space<vmem>>, %arg16: memref<20224xf32, #tpu.memory_space<vmem>>) attributes {dimension_semantics = [#tpu.dimension_semantics<core_parallel>, #tpu.dimension_semantics<subcore_parallel>], iteration_bounds = array<i64: 2, 16>, scalar_prefetch = 0 : i64, scratch_operands = 8 : i64, tpu.core_type = #tpu.core_type<sc_vector_subcore>, window_params = [{transform_indices = #map}, {transform_indices = #map}, {transform_indices = #map}, {transform_indices = #map}, {transform_indices = #map}, {transform_indices = #map}, {transform_indices = #map}]} {
    %mul3A = arith.constant 2 : i32
    %mul3A_0 = arith.muli %arg1, %mul3A : i32
    %add3A = arith.addi %mul3A_0, %arg0 : i32
    "tpu.region"() ({
      %run_scoped3A = tpu.sem_alloc : memref<!tpu.dma_semaphore, #tpu.memory_space<semaphore_mem>>
      tpu.enqueue_dma source(%arg2 : memref<10000xf32, #tpu.memory_space<hbm>>) target(%arg9 : memref<10000xf32, #tpu.memory_space<vmem>>) target_semaphore(%run_scoped3A : memref<!tpu.dma_semaphore, #tpu.memory_space<semaphore_mem>>)
      tpu.wait_dma2 semaphore(%run_scoped3A : memref<!tpu.dma_semaphore, #tpu.memory_space<semaphore_mem>>) src(%arg2 : memref<10000xf32, #tpu.memory_space<hbm>>) dst(%arg9 : memref<10000xf32, #tpu.memory_space<vmem>>)
      tpu.yield
    }) : () -> ()
    "tpu.region"() ({
      %run_scoped3A = tpu.sem_alloc : memref<!tpu.dma_semaphore, #tpu.memory_space<semaphore_mem>>
      tpu.enqueue_dma source(%arg3 : memref<10000xf32, #tpu.memory_space<hbm>>) target(%arg10 : memref<10000xf32, #tpu.memory_space<vmem>>) target_semaphore(%run_scoped3A : memref<!tpu.dma_semaphore, #tpu.memory_space<semaphore_mem>>)
      tpu.wait_dma2 semaphore(%run_scoped3A : memref<!tpu.dma_semaphore, #tpu.memory_space<semaphore_mem>>) src(%arg3 : memref<10000xf32, #tpu.memory_space<hbm>>) dst(%arg10 : memref<10000xf32, #tpu.memory_space<vmem>>)
      tpu.yield
    }) : () -> ()
    "tpu.region"() ({
      %run_scoped3A = tpu.sem_alloc : memref<!tpu.dma_semaphore, #tpu.memory_space<semaphore_mem>>
      tpu.enqueue_dma source(%arg4 : memref<10000xf32, #tpu.memory_space<hbm>>) target(%arg11 : memref<10000xf32, #tpu.memory_space<vmem>>) target_semaphore(%run_scoped3A : memref<!tpu.dma_semaphore, #tpu.memory_space<semaphore_mem>>)
      tpu.wait_dma2 semaphore(%run_scoped3A : memref<!tpu.dma_semaphore, #tpu.memory_space<semaphore_mem>>) src(%arg4 : memref<10000xf32, #tpu.memory_space<hbm>>) dst(%arg11 : memref<10000xf32, #tpu.memory_space<vmem>>)
      tpu.yield
    }) : () -> ()
    "tpu.region"() ({
      %run_scoped3A = tpu.sem_alloc : memref<!tpu.dma_semaphore, #tpu.memory_space<semaphore_mem>>
      tpu.enqueue_dma source(%arg5 : memref<10000xf32, #tpu.memory_space<hbm>>) target(%arg12 : memref<10000xf32, #tpu.memory_space<vmem>>) target_semaphore(%run_scoped3A : memref<!tpu.dma_semaphore, #tpu.memory_space<semaphore_mem>>)
      tpu.wait_dma2 semaphore(%run_scoped3A : memref<!tpu.dma_semaphore, #tpu.memory_space<semaphore_mem>>) src(%arg5 : memref<10000xf32, #tpu.memory_space<hbm>>) dst(%arg12 : memref<10000xf32, #tpu.memory_space<vmem>>)
      tpu.yield
    }) : () -> ()
    %lt3A = arith.constant 4 : i32
    %lt3A_1 = arith.cmpi slt, %add3A, %lt3A : i32
    %convert_element_type3A = arith.extui %lt3A_1 : i1 to i32
    %cond3A = arith.constant 0 : i32
    %cond3A_2 = arith.cmpi ne, %convert_element_type3A, %cond3A : i32
    scf.if %cond3A_2 {
      %mul3A_7 = arith.constant 79 : i32
      %mul3A_8 = arith.muli %add3A, %mul3A_7 : i32
      %mul3A_9 = arith.constant 128 : i32
      %mul3A_10 = arith.muli %mul3A_8, %mul3A_9 : i32
      "tpu.region"() ({
        %run_scoped3A = tpu.sem_alloc : memref<!tpu.dma_semaphore, #tpu.memory_space<semaphore_mem>>
        %dma_start3A = arith.constant 0 : i32
        %dma_start3A_25 = tpu.memref_slice %arg13[%dma_start3A] : memref<10112xi32, #tpu.memory_space<vmem>> -> memref<10112xi32, #tpu.memory_space<vmem>>
        %dma_start3A_26 = tpu.memref_slice %arg6[%mul3A_10] : memref<320000xi32, #tpu.memory_space<hbm>> -> memref<10112xi32, #tpu.memory_space<hbm>>
        %dma_start3A_27 = arith.constant 0 : i32
        %dma_start3A_28 = tpu.memref_slice %arg13[%dma_start3A_27] : memref<10112xi32, #tpu.memory_space<vmem>> -> memref<10112xi32, #tpu.memory_space<vmem>>
        %dma_start3A_29 = tpu.memref_slice %arg6[%mul3A_10] : memref<320000xi32, #tpu.memory_space<hbm>> -> memref<10112xi32, #tpu.memory_space<hbm>>
        tpu.enqueue_dma source(%dma_start3A_29 : memref<10112xi32, #tpu.memory_space<hbm>>) target(%dma_start3A_28 : memref<10112xi32, #tpu.memory_space<vmem>>) target_semaphore(%run_scoped3A : memref<!tpu.dma_semaphore, #tpu.memory_space<semaphore_mem>>)
        %dma_wait3A = arith.constant 0 : i32
        %dma_wait3A_30 = tpu.memref_slice %arg13[%dma_wait3A] : memref<10112xi32, #tpu.memory_space<vmem>> -> memref<10112xi32, #tpu.memory_space<vmem>>
        %dma_wait3A_31 = tpu.memref_slice %arg6[%mul3A_10] : memref<320000xi32, #tpu.memory_space<hbm>> -> memref<10112xi32, #tpu.memory_space<hbm>>
        %dma_wait3A_32 = arith.constant 0 : i32
        %dma_wait3A_33 = tpu.memref_slice %arg13[%dma_wait3A_32] : memref<10112xi32, #tpu.memory_space<vmem>> -> memref<10112xi32, #tpu.memory_space<vmem>>
        %dma_wait3A_34 = tpu.memref_slice %arg6[%mul3A_10] : memref<320000xi32, #tpu.memory_space<hbm>> -> memref<10112xi32, #tpu.memory_space<hbm>>
        tpu.wait_dma2 semaphore(%run_scoped3A : memref<!tpu.dma_semaphore, #tpu.memory_space<semaphore_mem>>) src(%dma_wait3A_34 : memref<10112xi32, #tpu.memory_space<hbm>>) dst(%dma_wait3A_33 : memref<10112xi32, #tpu.memory_space<vmem>>)
        tpu.yield
      }) : () -> ()
      "tpu.region"() ({
        %run_scoped3A = tpu.sem_alloc : memref<!tpu.dma_semaphore, #tpu.memory_space<semaphore_mem>>
        %dma_start3A = arith.constant 0 : i32
        %dma_start3A_25 = tpu.memref_slice %arg14[%dma_start3A] : memref<10112xi32, #tpu.memory_space<vmem>> -> memref<10112xi32, #tpu.memory_space<vmem>>
        %dma_start3A_26 = tpu.memref_slice %arg7[%mul3A_10] : memref<320000xi32, #tpu.memory_space<hbm>> -> memref<10112xi32, #tpu.memory_space<hbm>>
        %dma_start3A_27 = arith.constant 0 : i32
        %dma_start3A_28 = tpu.memref_slice %arg14[%dma_start3A_27] : memref<10112xi32, #tpu.memory_space<vmem>> -> memref<10112xi32, #tpu.memory_space<vmem>>
        %dma_start3A_29 = tpu.memref_slice %arg7[%mul3A_10] : memref<320000xi32, #tpu.memory_space<hbm>> -> memref<10112xi32, #tpu.memory_space<hbm>>
        tpu.enqueue_dma source(%dma_start3A_29 : memref<10112xi32, #tpu.memory_space<hbm>>) target(%dma_start3A_28 : memref<10112xi32, #tpu.memory_space<vmem>>) target_semaphore(%run_scoped3A : memref<!tpu.dma_semaphore, #tpu.memory_space<semaphore_mem>>)
        %dma_wait3A = arith.constant 0 : i32
        %dma_wait3A_30 = tpu.memref_slice %arg14[%dma_wait3A] : memref<10112xi32, #tpu.memory_space<vmem>> -> memref<10112xi32, #tpu.memory_space<vmem>>
        %dma_wait3A_31 = tpu.memref_slice %arg7[%mul3A_10] : memref<320000xi32, #tpu.memory_space<hbm>> -> memref<10112xi32, #tpu.memory_space<hbm>>
        %dma_wait3A_32 = arith.constant 0 : i32
        %dma_wait3A_33 = tpu.memref_slice %arg14[%dma_wait3A_32] : memref<10112xi32, #tpu.memory_space<vmem>> -> memref<10112xi32, #tpu.memory_space<vmem>>
        %dma_wait3A_34 = tpu.memref_slice %arg7[%mul3A_10] : memref<320000xi32, #tpu.memory_space<hbm>> -> memref<10112xi32, #tpu.memory_space<hbm>>
        tpu.wait_dma2 semaphore(%run_scoped3A : memref<!tpu.dma_semaphore, #tpu.memory_space<semaphore_mem>>) src(%dma_wait3A_34 : memref<10112xi32, #tpu.memory_space<hbm>>) dst(%dma_wait3A_33 : memref<10112xi32, #tpu.memory_space<vmem>>)
        tpu.yield
      }) : () -> ()
      %parallel_loop3A = arith.constant 0 : i32
      %parallel_loop3A_11 = arith.constant 632 : i32
      %parallel_loop3A_12 = arith.constant 1 : i32
      scf.for %parallel_loop3A_25 = %parallel_loop3A to %parallel_loop3A_11 step %parallel_loop3A_12  : i32 {
        %parallel_loop3A_26 = arith.constant 16 : i32
        %parallel_loop3A_27 = arith.muli %parallel_loop3A_25, %parallel_loop3A_26 : i32
        %parallel_loop3A_28 = arith.index_cast %parallel_loop3A_27 : i32 to index
        %parallel_loop3A_29 = tpu.vector_load %arg13[%parallel_loop3A_28] {strides = array<i32>} : memref<10112xi32, #tpu.memory_space<vmem>>, vector<16xi32>,
        %parallel_loop3A_30 = arith.index_cast %parallel_loop3A_27 : i32 to index
        %parallel_loop3A_31 = tpu.vector_load %arg14[%parallel_loop3A_30] {strides = array<i32>} : memref<10112xi32, #tpu.memory_space<vmem>>, vector<16xi32>,
        %parallel_loop3A_32 = arith.constant 8 : i32
        %parallel_loop3A_33 = arith.divsi %parallel_loop3A_25, %parallel_loop3A_32 : i32
        %parallel_loop3A_34 = arith.constant 0 : i32
        %parallel_loop3A_35 = arith.cmpi sgt, %parallel_loop3A_25, %parallel_loop3A_34 : i32
        %parallel_loop3A_36 = arith.extui %parallel_loop3A_35 : i1 to i32
        %parallel_loop3A_37 = arith.constant 0 : i32
        %parallel_loop3A_38 = arith.cmpi slt, %parallel_loop3A_25, %parallel_loop3A_37 : i32
        %parallel_loop3A_39 = arith.extui %parallel_loop3A_38 : i1 to i32
        %parallel_loop3A_40 = arith.subi %parallel_loop3A_36, %parallel_loop3A_39 : i32
        %parallel_loop3A_41 = arith.constant 0 : i32
        %parallel_loop3A_42 = arith.cmpi sgt, %parallel_loop3A_32, %parallel_loop3A_41 : i32
        %parallel_loop3A_43 = arith.extui %parallel_loop3A_42 : i1 to i32
        %parallel_loop3A_44 = arith.constant 0 : i32
        %parallel_loop3A_45 = arith.cmpi slt, %parallel_loop3A_32, %parallel_loop3A_44 : i32
        %parallel_loop3A_46 = arith.extui %parallel_loop3A_45 : i1 to i32
        %parallel_loop3A_47 = arith.subi %parallel_loop3A_43, %parallel_loop3A_46 : i32
        %parallel_loop3A_48 = arith.cmpi ne, %parallel_loop3A_40, %parallel_loop3A_47 : i32
        %parallel_loop3A_49 = arith.remsi %parallel_loop3A_25, %parallel_loop3A_32 : i32
        %parallel_loop3A_50 = arith.constant 0 : i32
        %parallel_loop3A_51 = arith.cmpi ne, %parallel_loop3A_49, %parallel_loop3A_50 : i32
        %parallel_loop3A_52 = arith.andi %parallel_loop3A_48, %parallel_loop3A_51 : i1
        %parallel_loop3A_53 = arith.constant 1 : i32
        %parallel_loop3A_54 = arith.subi %parallel_loop3A_33, %parallel_loop3A_53 : i32
        %parallel_loop3A_55 = arith.select %parallel_loop3A_52, %parallel_loop3A_54, %parallel_loop3A_33 : i32
        %parallel_loop3A_56 = arith.constant 128 : i32
        %parallel_loop3A_57 = arith.muli %parallel_loop3A_55, %parallel_loop3A_56 : i32
        %parallel_loop3A_58 = arith.addi %parallel_loop3A_27, %parallel_loop3A_57 : i32
        %parallel_loop3A_59 = tpu.vector_load_idx %arg9[%parallel_loop3A_29] : memref<10000xf32, #tpu.memory_space<vmem>>[vector<16xi32>], vector<16xf32>,
        %parallel_loop3A_60 = tpu.vector_load_idx %arg9[%parallel_loop3A_31] : memref<10000xf32, #tpu.memory_space<vmem>>[vector<16xi32>], vector<16xf32>,
        %parallel_loop3A_61 = arith.mulf %parallel_loop3A_59, %parallel_loop3A_60 : vector<16xf32>
        %parallel_loop3A_62 = arith.constant 1.000000e+00 : f32
        %parallel_loop3A_63 = vector.broadcast %parallel_loop3A_62 : f32 to vector<16xf32>
        %parallel_loop3A_64 = arith.addf %parallel_loop3A_61, %parallel_loop3A_63 : vector<16xf32>
        %parallel_loop3A_65 = arith.constant 2.000000e+00 : f32
        %parallel_loop3A_66 = vector.broadcast %parallel_loop3A_65 : f32 to vector<16xf32>
        %parallel_loop3A_67 = arith.divf %parallel_loop3A_66, %parallel_loop3A_64 : vector<16xf32>
        %parallel_loop3A_68 = arith.constant 1.000000e+00 : f32
        %parallel_loop3A_69 = vector.broadcast %parallel_loop3A_68 : f32 to vector<16xf32>
        %parallel_loop3A_70 = arith.subf %parallel_loop3A_69, %parallel_loop3A_67 : vector<16xf32>
        %parallel_loop3A_71 = arith.constant 0 : i32
        %parallel_loop3A_72 = arith.addi %parallel_loop3A_58, %parallel_loop3A_71 : i32
        %parallel_loop3A_73 = arith.index_cast %parallel_loop3A_72 : i32 to index
        %parallel_loop3A_74 = tpu.vector_load %arg15[%parallel_loop3A_73] {strides = array<i32>} : memref<20224xf32, #tpu.memory_space<vmem>>, vector<16xf32>,
        tpu.vector_store %arg15[%parallel_loop3A_73], %parallel_loop3A_70 {strides = array<i32>} : memref<20224xf32, #tpu.memory_space<vmem>>, vector<16xf32>,
        %parallel_loop3A_75 = tpu.vector_load_idx %arg10[%parallel_loop3A_29] : memref<10000xf32, #tpu.memory_space<vmem>>[vector<16xi32>], vector<16xf32>,
        %parallel_loop3A_76 = tpu.vector_load_idx %arg10[%parallel_loop3A_31] : memref<10000xf32, #tpu.memory_space<vmem>>[vector<16xi32>], vector<16xf32>,
        %parallel_loop3A_77 = arith.mulf %parallel_loop3A_75, %parallel_loop3A_76 : vector<16xf32>
        %parallel_loop3A_78 = arith.constant 1.000000e+00 : f32
        %parallel_loop3A_79 = vector.broadcast %parallel_loop3A_78 : f32 to vector<16xf32>
        %parallel_loop3A_80 = arith.addf %parallel_loop3A_77, %parallel_loop3A_79 : vector<16xf32>
        %parallel_loop3A_81 = arith.constant 2.000000e+00 : f32
        %parallel_loop3A_82 = vector.broadcast %parallel_loop3A_81 : f32 to vector<16xf32>
        %parallel_loop3A_83 = arith.divf %parallel_loop3A_82, %parallel_loop3A_80 : vector<16xf32>
        %parallel_loop3A_84 = arith.constant 1.000000e+00 : f32
        %parallel_loop3A_85 = vector.broadcast %parallel_loop3A_84 : f32 to vector<16xf32>
        %parallel_loop3A_86 = arith.subf %parallel_loop3A_85, %parallel_loop3A_83 : vector<16xf32>
        %parallel_loop3A_87 = arith.constant 128 : i32
        %parallel_loop3A_88 = arith.addi %parallel_loop3A_58, %parallel_loop3A_87 : i32
        %parallel_loop3A_89 = arith.index_cast %parallel_loop3A_88 : i32 to index
        %parallel_loop3A_90 = tpu.vector_load %arg15[%parallel_loop3A_89] {strides = array<i32>} : memref<20224xf32, #tpu.memory_space<vmem>>, vector<16xf32>,
        tpu.vector_store %arg15[%parallel_loop3A_89], %parallel_loop3A_86 {strides = array<i32>} : memref<20224xf32, #tpu.memory_space<vmem>>, vector<16xf32>,
        %parallel_loop3A_91 = tpu.vector_load_idx %arg11[%parallel_loop3A_29] : memref<10000xf32, #tpu.memory_space<vmem>>[vector<16xi32>], vector<16xf32>,
        %parallel_loop3A_92 = tpu.vector_load_idx %arg11[%parallel_loop3A_31] : memref<10000xf32, #tpu.memory_space<vmem>>[vector<16xi32>], vector<16xf32>,
        %parallel_loop3A_93 = arith.mulf %parallel_loop3A_91, %parallel_loop3A_92 : vector<16xf32>
        %parallel_loop3A_94 = arith.constant 1.000000e+00 : f32
        %parallel_loop3A_95 = vector.broadcast %parallel_loop3A_94 : f32 to vector<16xf32>
        %parallel_loop3A_96 = arith.addf %parallel_loop3A_93, %parallel_loop3A_95 : vector<16xf32>
        %parallel_loop3A_97 = arith.constant 2.000000e+00 : f32
        %parallel_loop3A_98 = vector.broadcast %parallel_loop3A_97 : f32 to vector<16xf32>
        %parallel_loop3A_99 = arith.divf %parallel_loop3A_98, %parallel_loop3A_96 : vector<16xf32>
        %parallel_loop3A_100 = arith.constant 1.000000e+00 : f32
        %parallel_loop3A_101 = vector.broadcast %parallel_loop3A_100 : f32 to vector<16xf32>
        %parallel_loop3A_102 = arith.subf %parallel_loop3A_101, %parallel_loop3A_99 : vector<16xf32>
        %parallel_loop3A_103 = arith.constant 0 : i32
        %parallel_loop3A_104 = arith.addi %parallel_loop3A_58, %parallel_loop3A_103 : i32
        %parallel_loop3A_105 = arith.index_cast %parallel_loop3A_104 : i32 to index
        %parallel_loop3A_106 = tpu.vector_load %arg16[%parallel_loop3A_105] {strides = array<i32>} : memref<20224xf32, #tpu.memory_space<vmem>>, vector<16xf32>,
        tpu.vector_store %arg16[%parallel_loop3A_105], %parallel_loop3A_102 {strides = array<i32>} : memref<20224xf32, #tpu.memory_space<vmem>>, vector<16xf32>,
        %parallel_loop3A_107 = tpu.vector_load_idx %arg12[%parallel_loop3A_29] : memref<10000xf32, #tpu.memory_space<vmem>>[vector<16xi32>], vector<16xf32>,
        %parallel_loop3A_108 = tpu.vector_load_idx %arg12[%parallel_loop3A_31] : memref<10000xf32, #tpu.memory_space<vmem>>[vector<16xi32>], vector<16xf32>,
        %parallel_loop3A_109 = arith.mulf %parallel_loop3A_107, %parallel_loop3A_108 : vector<16xf32>
        %parallel_loop3A_110 = arith.constant 1.000000e+00 : f32
        %parallel_loop3A_111 = vector.broadcast %parallel_loop3A_110 : f32 to vector<16xf32>
        %parallel_loop3A_112 = arith.addf %parallel_loop3A_109, %parallel_loop3A_111 : vector<16xf32>
        %parallel_loop3A_113 = arith.constant 2.000000e+00 : f32
        %parallel_loop3A_114 = vector.broadcast %parallel_loop3A_113 : f32 to vector<16xf32>
        %parallel_loop3A_115 = arith.divf %parallel_loop3A_114, %parallel_loop3A_112 : vector<16xf32>
        %parallel_loop3A_116 = arith.constant 1.000000e+00 : f32
        %parallel_loop3A_117 = vector.broadcast %parallel_loop3A_116 : f32 to vector<16xf32>
        %parallel_loop3A_118 = arith.subf %parallel_loop3A_117, %parallel_loop3A_115 : vector<16xf32>
        %parallel_loop3A_119 = arith.constant 128 : i32
        %parallel_loop3A_120 = arith.addi %parallel_loop3A_58, %parallel_loop3A_119 : i32
        %parallel_loop3A_121 = arith.index_cast %parallel_loop3A_120 : i32 to index
        %parallel_loop3A_122 = tpu.vector_load %arg16[%parallel_loop3A_121] {strides = array<i32>} : memref<20224xf32, #tpu.memory_space<vmem>>, vector<16xf32>,
        tpu.vector_store %arg16[%parallel_loop3A_121], %parallel_loop3A_118 {strides = array<i32>} : memref<20224xf32, #tpu.memory_space<vmem>>, vector<16xf32>,
      } {sc.loop_unroll_factor = 8 : i64, sc.parallel_access}
      %mul3A_13 = arith.constant 2 : i32
      %mul3A_14 = arith.muli %mul3A_8, %mul3A_13 : i32
      %mul3A_15 = arith.constant 128 : i32
      %mul3A_16 = arith.muli %mul3A_14, %mul3A_15 : i32
      %add3A_17 = arith.constant 0 : i32
      %add3A_18 = arith.addi %add3A_17, %mul3A_16 : i32
      "tpu.region"() ({
        %run_scoped3A = tpu.sem_alloc : memref<!tpu.dma_semaphore, #tpu.memory_space<semaphore_mem>>
        %dma_start3A = arith.constant 0 : i32
        %dma_start3A_25 = tpu.memref_slice %arg15[%dma_start3A] : memref<20224xf32, #tpu.memory_space<vmem>> -> memref<20224xf32, #tpu.memory_space<vmem>>
        %dma_start3A_26 = tpu.memref_slice %arg8[%add3A_18] : memref<1280000xf32, #tpu.memory_space<hbm>> -> memref<20224xf32, #tpu.memory_space<hbm>>
        %dma_start3A_27 = tpu.memref_slice %arg8[%add3A_18] : memref<1280000xf32, #tpu.memory_space<hbm>> -> memref<20224xf32, #tpu.memory_space<hbm>>
        %dma_start3A_28 = arith.constant 0 : i32
        %dma_start3A_29 = tpu.memref_slice %arg15[%dma_start3A_28] : memref<20224xf32, #tpu.memory_space<vmem>> -> memref<20224xf32, #tpu.memory_space<vmem>>
        tpu.enqueue_dma source(%dma_start3A_29 : memref<20224xf32, #tpu.memory_space<vmem>>) target(%dma_start3A_27 : memref<20224xf32, #tpu.memory_space<hbm>>) target_semaphore(%run_scoped3A : memref<!tpu.dma_semaphore, #tpu.memory_space<semaphore_mem>>)
        %dma_wait3A = arith.constant 0 : i32
        %dma_wait3A_30 = tpu.memref_slice %arg15[%dma_wait3A] : memref<20224xf32, #tpu.memory_space<vmem>> -> memref<20224xf32, #tpu.memory_space<vmem>>
        %dma_wait3A_31 = tpu.memref_slice %arg8[%add3A_18] : memref<1280000xf32, #tpu.memory_space<hbm>> -> memref<20224xf32, #tpu.memory_space<hbm>>
        %dma_wait3A_32 = tpu.memref_slice %arg8[%add3A_18] : memref<1280000xf32, #tpu.memory_space<hbm>> -> memref<20224xf32, #tpu.memory_space<hbm>>
        %dma_wait3A_33 = arith.constant 0 : i32
        %dma_wait3A_34 = tpu.memref_slice %arg15[%dma_wait3A_33] : memref<20224xf32, #tpu.memory_space<vmem>> -> memref<20224xf32, #tpu.memory_space<vmem>>
        tpu.wait_dma2 semaphore(%run_scoped3A : memref<!tpu.dma_semaphore, #tpu.memory_space<semaphore_mem>>) src(%dma_wait3A_34 : memref<20224xf32, #tpu.memory_space<vmem>>) dst(%dma_wait3A_32 : memref<20224xf32, #tpu.memory_space<hbm>>)
        tpu.yield
      }) : () -> ()
      %mul3A_19 = arith.constant 2 : i32
      %mul3A_20 = arith.muli %mul3A_8, %mul3A_19 : i32
      %mul3A_21 = arith.constant 128 : i32
      %mul3A_22 = arith.muli %mul3A_20, %mul3A_21 : i32
      %add3A_23 = arith.constant 640000 : i32
      %add3A_24 = arith.addi %add3A_23, %mul3A_22 : i32
      "tpu.region"() ({
        %run_scoped3A = tpu.sem_alloc : memref<!tpu.dma_semaphore, #tpu.memory_space<semaphore_mem>>
        %dma_start3A = arith.constant 0 : i32
        %dma_start3A_25 = tpu.memref_slice %arg16[%dma_start3A] : memref<20224xf32, #tpu.memory_space<vmem>> -> memref<20224xf32, #tpu.memory_space<vmem>>
        %dma_start3A_26 = tpu.memref_slice %arg8[%add3A_24] : memref<1280000xf32, #tpu.memory_space<hbm>> -> memref<20224xf32, #tpu.memory_space<hbm>>
        %dma_start3A_27 = tpu.memref_slice %arg8[%add3A_24] : memref<1280000xf32, #tpu.memory_space<hbm>> -> memref<20224xf32, #tpu.memory_space<hbm>>
        %dma_start3A_28 = arith.constant 0 : i32
        %dma_start3A_29 = tpu.memref_slice %arg16[%dma_start3A_28] : memref<20224xf32, #tpu.memory_space<vmem>> -> memref<20224xf32, #tpu.memory_space<vmem>>
        tpu.enqueue_dma source(%dma_start3A_29 : memref<20224xf32, #tpu.memory_space<vmem>>) target(%dma_start3A_27 : memref<20224xf32, #tpu.memory_space<hbm>>) target_semaphore(%run_scoped3A : memref<!tpu.dma_semaphore, #tpu.memory_space<semaphore_mem>>)
        %dma_wait3A = arith.constant 0 : i32
        %dma_wait3A_30 = tpu.memref_slice %arg16[%dma_wait3A] : memref<20224xf32, #tpu.memory_space<vmem>> -> memref<20224xf32, #tpu.memory_space<vmem>>
        %dma_wait3A_31 = tpu.memref_slice %arg8[%add3A_24] : memref<1280000xf32, #tpu.memory_space<hbm>> -> memref<20224xf32, #tpu.memory_space<hbm>>
        %dma_wait3A_32 = tpu.memref_slice %arg8[%add3A_24] : memref<1280000xf32, #tpu.memory_space<hbm>> -> memref<20224xf32, #tpu.memory_space<hbm>>
        %dma_wait3A_33 = arith.constant 0 : i32
        %dma_wait3A_34 = tpu.memref_slice %arg16[%dma_wait3A_33] : memref<20224xf32, #tpu.memory_space<vmem>> -> memref<20224xf32, #tpu.memory_space<vmem>>
        tpu.wait_dma2 semaphore(%run_scoped3A : memref<!tpu.dma_semaphore, #tpu.memory_space<semaphore_mem>>) src(%dma_wait3A_34 : memref<20224xf32, #tpu.memory_space<vmem>>) dst(%dma_wait3A_32 : memref<20224xf32, #tpu.memory_space<hbm>>)
        tpu.yield
      }) : () -> ()
    } else {
    }
    %ge3A = arith.constant 4 : i32
    %ge3A_3 = arith.cmpi sge, %add3A, %ge3A : i32
    %convert_element_type3A_4 = arith.extui %ge3A_3 : i1 to i32
    %cond3A_5 = arith.constant 0 : i32
    %cond3A_6 = arith.cmpi ne, %convert_element_type3A_4, %cond3A_5 : i32
    scf.if %cond3A_6 {
      %sub3A = arith.constant 4 : i32
      %sub3A_7 = arith.subi %add3A, %sub3A : i32
      %mul3A_8 = arith.constant 78 : i32
      %mul3A_9 = arith.muli %sub3A_7, %mul3A_8 : i32
      %add3A_10 = arith.constant 316 : i32
      %add3A_11 = arith.addi %add3A_10, %mul3A_9 : i32
      %mul3A_12 = arith.constant 128 : i32
      %mul3A_13 = arith.muli %add3A_11, %mul3A_12 : i32
      "tpu.region"() ({
        %run_scoped3A = tpu.sem_alloc : memref<!tpu.dma_semaphore, #tpu.memory_space<semaphore_mem>>
        %dma_start3A = arith.constant 0 : i32
        %dma_start3A_28 = tpu.memref_slice %arg13[%dma_start3A] : memref<10112xi32, #tpu.memory_space<vmem>> -> memref<9984xi32, #tpu.memory_space<vmem>>
        %dma_start3A_29 = tpu.memref_slice %arg6[%mul3A_13] : memref<320000xi32, #tpu.memory_space<hbm>> -> memref<9984xi32, #tpu.memory_space<hbm>>
        %dma_start3A_30 = arith.constant 0 : i32
        %dma_start3A_31 = tpu.memref_slice %arg13[%dma_start3A_30] : memref<10112xi32, #tpu.memory_space<vmem>> -> memref<9984xi32, #tpu.memory_space<vmem>>
        %dma_start3A_32 = tpu.memref_slice %arg6[%mul3A_13] : memref<320000xi32, #tpu.memory_space<hbm>> -> memref<9984xi32, #tpu.memory_space<hbm>>
        tpu.enqueue_dma source(%dma_start3A_32 : memref<9984xi32, #tpu.memory_space<hbm>>) target(%dma_start3A_31 : memref<9984xi32, #tpu.memory_space<vmem>>) target_semaphore(%run_scoped3A : memref<!tpu.dma_semaphore, #tpu.memory_space<semaphore_mem>>)
        %dma_wait3A = arith.constant 0 : i32
        %dma_wait3A_33 = tpu.memref_slice %arg13[%dma_wait3A] : memref<10112xi32, #tpu.memory_space<vmem>> -> memref<9984xi32, #tpu.memory_space<vmem>>
        %dma_wait3A_34 = tpu.memref_slice %arg6[%mul3A_13] : memref<320000xi32, #tpu.memory_space<hbm>> -> memref<9984xi32, #tpu.memory_space<hbm>>
        %dma_wait3A_35 = arith.constant 0 : i32
        %dma_wait3A_36 = tpu.memref_slice %arg13[%dma_wait3A_35] : memref<10112xi32, #tpu.memory_space<vmem>> -> memref<9984xi32, #tpu.memory_space<vmem>>
        %dma_wait3A_37 = tpu.memref_slice %arg6[%mul3A_13] : memref<320000xi32, #tpu.memory_space<hbm>> -> memref<9984xi32, #tpu.memory_space<hbm>>
        tpu.wait_dma2 semaphore(%run_scoped3A : memref<!tpu.dma_semaphore, #tpu.memory_space<semaphore_mem>>) src(%dma_wait3A_37 : memref<9984xi32, #tpu.memory_space<hbm>>) dst(%dma_wait3A_36 : memref<9984xi32, #tpu.memory_space<vmem>>)
        tpu.yield
      }) : () -> ()
      "tpu.region"() ({
        %run_scoped3A = tpu.sem_alloc : memref<!tpu.dma_semaphore, #tpu.memory_space<semaphore_mem>>
        %dma_start3A = arith.constant 0 : i32
        %dma_start3A_28 = tpu.memref_slice %arg14[%dma_start3A] : memref<10112xi32, #tpu.memory_space<vmem>> -> memref<9984xi32, #tpu.memory_space<vmem>>
        %dma_start3A_29 = tpu.memref_slice %arg7[%mul3A_13] : memref<320000xi32, #tpu.memory_space<hbm>> -> memref<9984xi32, #tpu.memory_space<hbm>>
        %dma_start3A_30 = arith.constant 0 : i32
        %dma_start3A_31 = tpu.memref_slice %arg14[%dma_start3A_30] : memref<10112xi32, #tpu.memory_space<vmem>> -> memref<9984xi32, #tpu.memory_space<vmem>>
        %dma_start3A_32 = tpu.memref_slice %arg7[%mul3A_13] : memref<320000xi32, #tpu.memory_space<hbm>> -> memref<9984xi32, #tpu.memory_space<hbm>>
        tpu.enqueue_dma source(%dma_start3A_32 : memref<9984xi32, #tpu.memory_space<hbm>>) target(%dma_start3A_31 : memref<9984xi32, #tpu.memory_space<vmem>>) target_semaphore(%run_scoped3A : memref<!tpu.dma_semaphore, #tpu.memory_space<semaphore_mem>>)
        %dma_wait3A = arith.constant 0 : i32
        %dma_wait3A_33 = tpu.memref_slice %arg14[%dma_wait3A] : memref<10112xi32, #tpu.memory_space<vmem>> -> memref<9984xi32, #tpu.memory_space<vmem>>
        %dma_wait3A_34 = tpu.memref_slice %arg7[%mul3A_13] : memref<320000xi32, #tpu.memory_space<hbm>> -> memref<9984xi32, #tpu.memory_space<hbm>>
        %dma_wait3A_35 = arith.constant 0 : i32
        %dma_wait3A_36 = tpu.memref_slice %arg14[%dma_wait3A_35] : memref<10112xi32, #tpu.memory_space<vmem>> -> memref<9984xi32, #tpu.memory_space<vmem>>
        %dma_wait3A_37 = tpu.memref_slice %arg7[%mul3A_13] : memref<320000xi32, #tpu.memory_space<hbm>> -> memref<9984xi32, #tpu.memory_space<hbm>>
        tpu.wait_dma2 semaphore(%run_scoped3A : memref<!tpu.dma_semaphore, #tpu.memory_space<semaphore_mem>>) src(%dma_wait3A_37 : memref<9984xi32, #tpu.memory_space<hbm>>) dst(%dma_wait3A_36 : memref<9984xi32, #tpu.memory_space<vmem>>)
        tpu.yield
      }) : () -> ()
      %parallel_loop3A = arith.constant 0 : i32
      %parallel_loop3A_14 = arith.constant 624 : i32
      %parallel_loop3A_15 = arith.constant 1 : i32
      scf.for %parallel_loop3A_28 = %parallel_loop3A to %parallel_loop3A_14 step %parallel_loop3A_15  : i32 {
        %parallel_loop3A_29 = arith.constant 16 : i32
        %parallel_loop3A_30 = arith.muli %parallel_loop3A_28, %parallel_loop3A_29 : i32
        %parallel_loop3A_31 = arith.index_cast %parallel_loop3A_30 : i32 to index
        %parallel_loop3A_32 = tpu.vector_load %arg13[%parallel_loop3A_31] {strides = array<i32>} : memref<10112xi32, #tpu.memory_space<vmem>>, vector<16xi32>,
        %parallel_loop3A_33 = arith.index_cast %parallel_loop3A_30 : i32 to index
        %parallel_loop3A_34 = tpu.vector_load %arg14[%parallel_loop3A_33] {strides = array<i32>} : memref<10112xi32, #tpu.memory_space<vmem>>, vector<16xi32>,
        %parallel_loop3A_35 = arith.constant 8 : i32
        %parallel_loop3A_36 = arith.divsi %parallel_loop3A_28, %parallel_loop3A_35 : i32
        %parallel_loop3A_37 = arith.constant 0 : i32
        %parallel_loop3A_38 = arith.cmpi sgt, %parallel_loop3A_28, %parallel_loop3A_37 : i32
        %parallel_loop3A_39 = arith.extui %parallel_loop3A_38 : i1 to i32
        %parallel_loop3A_40 = arith.constant 0 : i32
        %parallel_loop3A_41 = arith.cmpi slt, %parallel_loop3A_28, %parallel_loop3A_40 : i32
        %parallel_loop3A_42 = arith.extui %parallel_loop3A_41 : i1 to i32
        %parallel_loop3A_43 = arith.subi %parallel_loop3A_39, %parallel_loop3A_42 : i32
        %parallel_loop3A_44 = arith.constant 0 : i32
        %parallel_loop3A_45 = arith.cmpi sgt, %parallel_loop3A_35, %parallel_loop3A_44 : i32
        %parallel_loop3A_46 = arith.extui %parallel_loop3A_45 : i1 to i32
        %parallel_loop3A_47 = arith.constant 0 : i32
        %parallel_loop3A_48 = arith.cmpi slt, %parallel_loop3A_35, %parallel_loop3A_47 : i32
        %parallel_loop3A_49 = arith.extui %parallel_loop3A_48 : i1 to i32
        %parallel_loop3A_50 = arith.subi %parallel_loop3A_46, %parallel_loop3A_49 : i32
        %parallel_loop3A_51 = arith.cmpi ne, %parallel_loop3A_43, %parallel_loop3A_50 : i32
        %parallel_loop3A_52 = arith.remsi %parallel_loop3A_28, %parallel_loop3A_35 : i32
        %parallel_loop3A_53 = arith.constant 0 : i32
        %parallel_loop3A_54 = arith.cmpi ne, %parallel_loop3A_52, %parallel_loop3A_53 : i32
        %parallel_loop3A_55 = arith.andi %parallel_loop3A_51, %parallel_loop3A_54 : i1
        %parallel_loop3A_56 = arith.constant 1 : i32
        %parallel_loop3A_57 = arith.subi %parallel_loop3A_36, %parallel_loop3A_56 : i32
        %parallel_loop3A_58 = arith.select %parallel_loop3A_55, %parallel_loop3A_57, %parallel_loop3A_36 : i32
        %parallel_loop3A_59 = arith.constant 128 : i32
        %parallel_loop3A_60 = arith.muli %parallel_loop3A_58, %parallel_loop3A_59 : i32
        %parallel_loop3A_61 = arith.addi %parallel_loop3A_30, %parallel_loop3A_60 : i32
        %parallel_loop3A_62 = tpu.vector_load_idx %arg9[%parallel_loop3A_32] : memref<10000xf32, #tpu.memory_space<vmem>>[vector<16xi32>], vector<16xf32>,
        %parallel_loop3A_63 = tpu.vector_load_idx %arg9[%parallel_loop3A_34] : memref<10000xf32, #tpu.memory_space<vmem>>[vector<16xi32>], vector<16xf32>,
        %parallel_loop3A_64 = arith.mulf %parallel_loop3A_62, %parallel_loop3A_63 : vector<16xf32>
        %parallel_loop3A_65 = arith.constant 1.000000e+00 : f32
        %parallel_loop3A_66 = vector.broadcast %parallel_loop3A_65 : f32 to vector<16xf32>
        %parallel_loop3A_67 = arith.addf %parallel_loop3A_64, %parallel_loop3A_66 : vector<16xf32>
        %parallel_loop3A_68 = arith.constant 2.000000e+00 : f32
        %parallel_loop3A_69 = vector.broadcast %parallel_loop3A_68 : f32 to vector<16xf32>
        %parallel_loop3A_70 = arith.divf %parallel_loop3A_69, %parallel_loop3A_67 : vector<16xf32>
        %parallel_loop3A_71 = arith.constant 1.000000e+00 : f32
        %parallel_loop3A_72 = vector.broadcast %parallel_loop3A_71 : f32 to vector<16xf32>
        %parallel_loop3A_73 = arith.subf %parallel_loop3A_72, %parallel_loop3A_70 : vector<16xf32>
        %parallel_loop3A_74 = arith.constant 0 : i32
        %parallel_loop3A_75 = arith.addi %parallel_loop3A_61, %parallel_loop3A_74 : i32
        %parallel_loop3A_76 = arith.index_cast %parallel_loop3A_75 : i32 to index
        %parallel_loop3A_77 = tpu.vector_load %arg15[%parallel_loop3A_76] {strides = array<i32>} : memref<20224xf32, #tpu.memory_space<vmem>>, vector<16xf32>,
        tpu.vector_store %arg15[%parallel_loop3A_76], %parallel_loop3A_73 {strides = array<i32>} : memref<20224xf32, #tpu.memory_space<vmem>>, vector<16xf32>,
        %parallel_loop3A_78 = tpu.vector_load_idx %arg10[%parallel_loop3A_32] : memref<10000xf32, #tpu.memory_space<vmem>>[vector<16xi32>], vector<16xf32>,
        %parallel_loop3A_79 = tpu.vector_load_idx %arg10[%parallel_loop3A_34] : memref<10000xf32, #tpu.memory_space<vmem>>[vector<16xi32>], vector<16xf32>,
        %parallel_loop3A_80 = arith.mulf %parallel_loop3A_78, %parallel_loop3A_79 : vector<16xf32>
        %parallel_loop3A_81 = arith.constant 1.000000e+00 : f32
        %parallel_loop3A_82 = vector.broadcast %parallel_loop3A_81 : f32 to vector<16xf32>
        %parallel_loop3A_83 = arith.addf %parallel_loop3A_80, %parallel_loop3A_82 : vector<16xf32>
        %parallel_loop3A_84 = arith.constant 2.000000e+00 : f32
        %parallel_loop3A_85 = vector.broadcast %parallel_loop3A_84 : f32 to vector<16xf32>
        %parallel_loop3A_86 = arith.divf %parallel_loop3A_85, %parallel_loop3A_83 : vector<16xf32>
        %parallel_loop3A_87 = arith.constant 1.000000e+00 : f32
        %parallel_loop3A_88 = vector.broadcast %parallel_loop3A_87 : f32 to vector<16xf32>
        %parallel_loop3A_89 = arith.subf %parallel_loop3A_88, %parallel_loop3A_86 : vector<16xf32>
        %parallel_loop3A_90 = arith.constant 128 : i32
        %parallel_loop3A_91 = arith.addi %parallel_loop3A_61, %parallel_loop3A_90 : i32
        %parallel_loop3A_92 = arith.index_cast %parallel_loop3A_91 : i32 to index
        %parallel_loop3A_93 = tpu.vector_load %arg15[%parallel_loop3A_92] {strides = array<i32>} : memref<20224xf32, #tpu.memory_space<vmem>>, vector<16xf32>,
        tpu.vector_store %arg15[%parallel_loop3A_92], %parallel_loop3A_89 {strides = array<i32>} : memref<20224xf32, #tpu.memory_space<vmem>>, vector<16xf32>,
        %parallel_loop3A_94 = tpu.vector_load_idx %arg11[%parallel_loop3A_32] : memref<10000xf32, #tpu.memory_space<vmem>>[vector<16xi32>], vector<16xf32>,
        %parallel_loop3A_95 = tpu.vector_load_idx %arg11[%parallel_loop3A_34] : memref<10000xf32, #tpu.memory_space<vmem>>[vector<16xi32>], vector<16xf32>,
        %parallel_loop3A_96 = arith.mulf %parallel_loop3A_94, %parallel_loop3A_95 : vector<16xf32>
        %parallel_loop3A_97 = arith.constant 1.000000e+00 : f32
        %parallel_loop3A_98 = vector.broadcast %parallel_loop3A_97 : f32 to vector<16xf32>
        %parallel_loop3A_99 = arith.addf %parallel_loop3A_96, %parallel_loop3A_98 : vector<16xf32>
        %parallel_loop3A_100 = arith.constant 2.000000e+00 : f32
        %parallel_loop3A_101 = vector.broadcast %parallel_loop3A_100 : f32 to vector<16xf32>
        %parallel_loop3A_102 = arith.divf %parallel_loop3A_101, %parallel_loop3A_99 : vector<16xf32>
        %parallel_loop3A_103 = arith.constant 1.000000e+00 : f32
        %parallel_loop3A_104 = vector.broadcast %parallel_loop3A_103 : f32 to vector<16xf32>
        %parallel_loop3A_105 = arith.subf %parallel_loop3A_104, %parallel_loop3A_102 : vector<16xf32>
        %parallel_loop3A_106 = arith.constant 0 : i32
        %parallel_loop3A_107 = arith.addi %parallel_loop3A_61, %parallel_loop3A_106 : i32
        %parallel_loop3A_108 = arith.index_cast %parallel_loop3A_107 : i32 to index
        %parallel_loop3A_109 = tpu.vector_load %arg16[%parallel_loop3A_108] {strides = array<i32>} : memref<20224xf32, #tpu.memory_space<vmem>>, vector<16xf32>,
        tpu.vector_store %arg16[%parallel_loop3A_108], %parallel_loop3A_105 {strides = array<i32>} : memref<20224xf32, #tpu.memory_space<vmem>>, vector<16xf32>,
        %parallel_loop3A_110 = tpu.vector_load_idx %arg12[%parallel_loop3A_32] : memref<10000xf32, #tpu.memory_space<vmem>>[vector<16xi32>], vector<16xf32>,
        %parallel_loop3A_111 = tpu.vector_load_idx %arg12[%parallel_loop3A_34] : memref<10000xf32, #tpu.memory_space<vmem>>[vector<16xi32>], vector<16xf32>,
        %parallel_loop3A_112 = arith.mulf %parallel_loop3A_110, %parallel_loop3A_111 : vector<16xf32>
        %parallel_loop3A_113 = arith.constant 1.000000e+00 : f32
        %parallel_loop3A_114 = vector.broadcast %parallel_loop3A_113 : f32 to vector<16xf32>
        %parallel_loop3A_115 = arith.addf %parallel_loop3A_112, %parallel_loop3A_114 : vector<16xf32>
        %parallel_loop3A_116 = arith.constant 2.000000e+00 : f32
        %parallel_loop3A_117 = vector.broadcast %parallel_loop3A_116 : f32 to vector<16xf32>
        %parallel_loop3A_118 = arith.divf %parallel_loop3A_117, %parallel_loop3A_115 : vector<16xf32>
        %parallel_loop3A_119 = arith.constant 1.000000e+00 : f32
        %parallel_loop3A_120 = vector.broadcast %parallel_loop3A_119 : f32 to vector<16xf32>
        %parallel_loop3A_121 = arith.subf %parallel_loop3A_120, %parallel_loop3A_118 : vector<16xf32>
        %parallel_loop3A_122 = arith.constant 128 : i32
        %parallel_loop3A_123 = arith.addi %parallel_loop3A_61, %parallel_loop3A_122 : i32
        %parallel_loop3A_124 = arith.index_cast %parallel_loop3A_123 : i32 to index
        %parallel_loop3A_125 = tpu.vector_load %arg16[%parallel_loop3A_124] {strides = array<i32>} : memref<20224xf32, #tpu.memory_space<vmem>>, vector<16xf32>,
        tpu.vector_store %arg16[%parallel_loop3A_124], %parallel_loop3A_121 {strides = array<i32>} : memref<20224xf32, #tpu.memory_space<vmem>>, vector<16xf32>,
      } {sc.loop_unroll_factor = 8 : i64, sc.parallel_access}
      %mul3A_16 = arith.constant 2 : i32
      %mul3A_17 = arith.muli %add3A_11, %mul3A_16 : i32
      %mul3A_18 = arith.constant 128 : i32
      %mul3A_19 = arith.muli %mul3A_17, %mul3A_18 : i32
      %add3A_20 = arith.constant 0 : i32
      %add3A_21 = arith.addi %add3A_20, %mul3A_19 : i32
      "tpu.region"() ({
        %run_scoped3A = tpu.sem_alloc : memref<!tpu.dma_semaphore, #tpu.memory_space<semaphore_mem>>
        %dma_start3A = arith.constant 0 : i32
        %dma_start3A_28 = tpu.memref_slice %arg15[%dma_start3A] : memref<20224xf32, #tpu.memory_space<vmem>> -> memref<19968xf32, #tpu.memory_space<vmem>>
        %dma_start3A_29 = tpu.memref_slice %arg8[%add3A_21] : memref<1280000xf32, #tpu.memory_space<hbm>> -> memref<19968xf32, #tpu.memory_space<hbm>>
        %dma_start3A_30 = tpu.memref_slice %arg8[%add3A_21] : memref<1280000xf32, #tpu.memory_space<hbm>> -> memref<19968xf32, #tpu.memory_space<hbm>>
        %dma_start3A_31 = arith.constant 0 : i32
        %dma_start3A_32 = tpu.memref_slice %arg15[%dma_start3A_31] : memref<20224xf32, #tpu.memory_space<vmem>> -> memref<19968xf32, #tpu.memory_space<vmem>>
        tpu.enqueue_dma source(%dma_start3A_32 : memref<19968xf32, #tpu.memory_space<vmem>>) target(%dma_start3A_30 : memref<19968xf32, #tpu.memory_space<hbm>>) target_semaphore(%run_scoped3A : memref<!tpu.dma_semaphore, #tpu.memory_space<semaphore_mem>>)
        %dma_wait3A = arith.constant 0 : i32
        %dma_wait3A_33 = tpu.memref_slice %arg15[%dma_wait3A] : memref<20224xf32, #tpu.memory_space<vmem>> -> memref<19968xf32, #tpu.memory_space<vmem>>
        %dma_wait3A_34 = tpu.memref_slice %arg8[%add3A_21] : memref<1280000xf32, #tpu.memory_space<hbm>> -> memref<19968xf32, #tpu.memory_space<hbm>>
        %dma_wait3A_35 = tpu.memref_slice %arg8[%add3A_21] : memref<1280000xf32, #tpu.memory_space<hbm>> -> memref<19968xf32, #tpu.memory_space<hbm>>
        %dma_wait3A_36 = arith.constant 0 : i32
        %dma_wait3A_37 = tpu.memref_slice %arg15[%dma_wait3A_36] : memref<20224xf32, #tpu.memory_space<vmem>> -> memref<19968xf32, #tpu.memory_space<vmem>>
        tpu.wait_dma2 semaphore(%run_scoped3A : memref<!tpu.dma_semaphore, #tpu.memory_space<semaphore_mem>>) src(%dma_wait3A_37 : memref<19968xf32, #tpu.memory_space<vmem>>) dst(%dma_wait3A_35 : memref<19968xf32, #tpu.memory_space<hbm>>)
        tpu.yield
      }) : () -> ()
      %mul3A_22 = arith.constant 2 : i32
      %mul3A_23 = arith.muli %add3A_11, %mul3A_22 : i32
      %mul3A_24 = arith.constant 128 : i32
      %mul3A_25 = arith.muli %mul3A_23, %mul3A_24 : i32
      %add3A_26 = arith.constant 640000 : i32
      %add3A_27 = arith.addi %add3A_26, %mul3A_25 : i32
      "tpu.region"() ({
        %run_scoped3A = tpu.sem_alloc : memref<!tpu.dma_semaphore, #tpu.memory_space<semaphore_mem>>
        %dma_start3A = arith.constant 0 : i32
        %dma_start3A_28 = tpu.memref_slice %arg16[%dma_start3A] : memref<20224xf32, #tpu.memory_space<vmem>> -> memref<19968xf32, #tpu.memory_space<vmem>>
        %dma_start3A_29 = tpu.memref_slice %arg8[%add3A_27] : memref<1280000xf32, #tpu.memory_space<hbm>> -> memref<19968xf32, #tpu.memory_space<hbm>>
        %dma_start3A_30 = tpu.memref_slice %arg8[%add3A_27] : memref<1280000xf32, #tpu.memory_space<hbm>> -> memref<19968xf32, #tpu.memory_space<hbm>>
        %dma_start3A_31 = arith.constant 0 : i32
        %dma_start3A_32 = tpu.memref_slice %arg16[%dma_start3A_31] : memref<20224xf32, #tpu.memory_space<vmem>> -> memref<19968xf32, #tpu.memory_space<vmem>>
        tpu.enqueue_dma source(%dma_start3A_32 : memref<19968xf32, #tpu.memory_space<vmem>>) target(%dma_start3A_30 : memref<19968xf32, #tpu.memory_space<hbm>>) target_semaphore(%run_scoped3A : memref<!tpu.dma_semaphore, #tpu.memory_space<semaphore_mem>>)
        %dma_wait3A = arith.constant 0 : i32
        %dma_wait3A_33 = tpu.memref_slice %arg16[%dma_wait3A] : memref<20224xf32, #tpu.memory_space<vmem>> -> memref<19968xf32, #tpu.memory_space<vmem>>
        %dma_wait3A_34 = tpu.memref_slice %arg8[%add3A_27] : memref<1280000xf32, #tpu.memory_space<hbm>> -> memref<19968xf32, #tpu.memory_space<hbm>>
        %dma_wait3A_35 = tpu.memref_slice %arg8[%add3A_27] : memref<1280000xf32, #tpu.memory_space<hbm>> -> memref<19968xf32, #tpu.memory_space<hbm>>
        %dma_wait3A_36 = arith.constant 0 : i32
        %dma_wait3A_37 = tpu.memref_slice %arg16[%dma_wait3A_36] : memref<20224xf32, #tpu.memory_space<vmem>> -> memref<19968xf32, #tpu.memory_space<vmem>>
        tpu.wait_dma2 semaphore(%run_scoped3A : memref<!tpu.dma_semaphore, #tpu.memory_space<semaphore_mem>>) src(%dma_wait3A_37 : memref<19968xf32, #tpu.memory_space<vmem>>) dst(%dma_wait3A_35 : memref<19968xf32, #tpu.memory_space<hbm>>)
        tpu.yield
      }) : () -> ()
    } else {
    }
    return
  }
}

module attributes {stable_mosaic.version = 14 : i64} {
  func.func @_mm_body(%arg0: memref<10000x128xf32, #tpu.memory_space<vmem>>, %arg1: memref<4x128xf32, #tpu.memory_space<vmem>>, %arg2: memref<2x320000xi32, #tpu.memory_space<vmem>>, %arg3: memref<10000xf32, #tpu.memory_space<vmem>>, %arg4: memref<10000xf32, #tpu.memory_space<vmem>>, %arg5: memref<10000xf32, #tpu.memory_space<vmem>>, %arg6: memref<10000xf32, #tpu.memory_space<vmem>>, %arg7: memref<320000xi32, #tpu.memory_space<vmem>>, %arg8: memref<320000xi32, #tpu.memory_space<vmem>>) attributes {dimension_semantics = [], scalar_prefetch = 0 : i64, scratch_operands = 0 : i64, tpu.core_type = #tpu.core_type<tc>} {
    %get3A = arith.constant 0 : index
    %get3A_0 = arith.constant 0 : index
    %get3A_1 = vector.load %arg1[%get3A, %get3A_0] : memref<4x128xf32, #tpu.memory_space<vmem>>, vector<4x128xf32>
    %get3A_2 = arith.constant 0 : index
    %get3A_3 = arith.constant 0 : index
    %get3A_4 = vector.load %arg0[%get3A_2, %get3A_3] : memref<10000x128xf32, #tpu.memory_space<vmem>>, vector<10000x128xf32>
    %dot_general3A = arith.constant dense<0.000000e+00> : vector<4x10000xf32>
    %dot_general3A_5 = tpu.matmul %get3A_1, %get3A_4, %dot_general3A {dimension_numbers = #tpu.dot_dimension_numbers<[1], [1], [0], [0], [0, 0, 1, 0], [], []>, transpose_lhs_hint = false} : vector<4x128xf32>, vector<10000x128xf32>, vector<4x10000xf32> -> vector<4x10000xf32>
    %add3A = arith.addf %dot_general3A_5, %dot_general3A_5 : vector<4x10000xf32>
    %jit3A = arith.constant -3.000000e+01 : f32
    %jit3A_6 = arith.constant 3.000000e+01 : f32
    %max3A = vector.broadcast %jit3A : f32 to vector<4x10000xf32>
    %max3A_7 = arith.maximumf %max3A, %add3A : vector<4x10000xf32>
    %min3A = vector.broadcast %jit3A_6 : f32 to vector<4x10000xf32>
    %min3A_8 = arith.minimumf %min3A, %max3A_7 : vector<4x10000xf32>
    %exp3A = math.exp %min3A_8 : vector<4x10000xf32>
    %slice3A = vector.extract_strided_slice %exp3A {offsets = [0, 0], sizes = [1, 10000], strides = [1, 1]} : vector<4x10000xf32> to vector<1x10000xf32>
    %squeeze3A = vector.shape_cast %slice3A : vector<1x10000xf32> to vector<10000xf32>
    %swap3A = arith.constant 0 : index
    %swap3A_9 = vector.load %arg3[%swap3A] : memref<10000xf32, #tpu.memory_space<vmem>>, vector<10000xf32>
    tpu.vector_store %arg3[%swap3A], %squeeze3A {strides = array<i32>} : memref<10000xf32, #tpu.memory_space<vmem>>, vector<10000xf32>,
    %slice3A_10 = vector.extract_strided_slice %exp3A {offsets = [1, 0], sizes = [1, 10000], strides = [1, 1]} : vector<4x10000xf32> to vector<1x10000xf32>
    %squeeze3A_11 = vector.shape_cast %slice3A_10 : vector<1x10000xf32> to vector<10000xf32>
    %swap3A_12 = arith.constant 0 : index
    %swap3A_13 = vector.load %arg4[%swap3A_12] : memref<10000xf32, #tpu.memory_space<vmem>>, vector<10000xf32>
    tpu.vector_store %arg4[%swap3A_12], %squeeze3A_11 {strides = array<i32>} : memref<10000xf32, #tpu.memory_space<vmem>>, vector<10000xf32>,
    %slice3A_14 = vector.extract_strided_slice %exp3A {offsets = [2, 0], sizes = [1, 10000], strides = [1, 1]} : vector<4x10000xf32> to vector<1x10000xf32>
    %squeeze3A_15 = vector.shape_cast %slice3A_14 : vector<1x10000xf32> to vector<10000xf32>
    %swap3A_16 = arith.constant 0 : index
    %swap3A_17 = vector.load %arg5[%swap3A_16] : memref<10000xf32, #tpu.memory_space<vmem>>, vector<10000xf32>
    tpu.vector_store %arg5[%swap3A_16], %squeeze3A_15 {strides = array<i32>} : memref<10000xf32, #tpu.memory_space<vmem>>, vector<10000xf32>,
    %slice3A_18 = vector.extract_strided_slice %exp3A {offsets = [3, 0], sizes = [1, 10000], strides = [1, 1]} : vector<4x10000xf32> to vector<1x10000xf32>
    %squeeze3A_19 = vector.shape_cast %slice3A_18 : vector<1x10000xf32> to vector<10000xf32>
    %swap3A_20 = arith.constant 0 : index
    %swap3A_21 = vector.load %arg6[%swap3A_20] : memref<10000xf32, #tpu.memory_space<vmem>>, vector<10000xf32>
    tpu.vector_store %arg6[%swap3A_20], %squeeze3A_19 {strides = array<i32>} : memref<10000xf32, #tpu.memory_space<vmem>>, vector<10000xf32>,
    %get3A_22 = arith.constant 0 : index
    %get3A_23 = arith.constant 0 : index
    %get3A_24 = vector.load %arg2[%get3A_22, %get3A_23] : memref<2x320000xi32, #tpu.memory_space<vmem>>, vector<1x320000xi32>
    %get3A_25 = vector.shape_cast %get3A_24 : vector<1x320000xi32> to vector<320000xi32>
    %swap3A_26 = arith.constant 0 : index
    %swap3A_27 = vector.load %arg7[%swap3A_26] : memref<320000xi32, #tpu.memory_space<vmem>>, vector<320000xi32>
    tpu.vector_store %arg7[%swap3A_26], %get3A_25 {strides = array<i32>} : memref<320000xi32, #tpu.memory_space<vmem>>, vector<320000xi32>,
    %get3A_28 = arith.constant 1 : index
    %get3A_29 = arith.constant 0 : index
    %get3A_30 = vector.load %arg2[%get3A_28, %get3A_29] : memref<2x320000xi32, #tpu.memory_space<vmem>>, vector<1x320000xi32>
    %get3A_31 = vector.shape_cast %get3A_30 : vector<1x320000xi32> to vector<320000xi32>
    %swap3A_32 = arith.constant 0 : index
    %swap3A_33 = vector.load %arg8[%swap3A_32] : memref<320000xi32, #tpu.memory_space<vmem>>, vector<320000xi32>
    tpu.vector_store %arg8[%swap3A_32], %get3A_31 {strides = array<i32>} : memref<320000xi32, #tpu.memory_space<vmem>>, vector<320000xi32>,
    return
  }
}

</mosaic_0001>

<sc_bundles>
// kernel: kernel.4.cloned.1.call-start
scs
__scs_entry_jumppad:
0x0: {  	(pc) =	sbr.rel $0x88, $3  }
0x1: {  	(tag) =	ssettag $0x0;
	lr =	simm.s32 $0x1  }
0x2: {  	[smem:$0x3F9E] =	sst lr;
	_ =	strace $0xD0000000  }
0x3: {  	_ = 	snop  }
0x4: {  	_ = 	snop  }
0x5: {  	_ = 	snop  }
0x6: {  	_ = 	snop  }
0x7: {  	_ = 	snop  }
__scs_overlays_trampoline_lowered:
0x8: {  	[smem:$0x3FAD] =	sst s0  }
0x9: {  	[smem:$0x3FAE] =	sst s1  }
0xa: {  	[smem:$0x3FAF] =	sst s2  }
0xb: {  	[smem:$0x3FB0] =	sst s3  }
0xc: {  	[smem:$0x3FB1] =	sst s4  }
0xd: {  	[smem:$0x3FB2] =	sst s5  }
0xe: {  	[smem:$0x3FB3] =	sst s6  }
0xf: {  	[smem:$0x3FB4] =	sst s7  }
0x10: {  	[smem:$0x3FB5] =	sst s8  }
0x11: {  	[smem:$0x3FB6] =	sst s9;
	s0 =	simm.s32 @!p0 $0x0  }
0x12: {  	s1 =	sld [smem:$0x3F9C];
	s0 =	simm.s32 @p0 $0x1  }
0x13: {  	[smem:$0x3FB7] =	sst s0;
	s0 =	simm.s32 @!p1 $0x0  }
0x14: {  	s2 =	sld [smem:$0x3F9B];
	s0 =	simm.s32 @p1 $0x1  }
0x15: {  	[smem:$0x3FB8] =	sst s0;
	s0 =	simm.s32 @!p2 $0x0  }
0x16: {  	s3 =	sld [smem:$0x3FDB];
	s0 =	simm.s32 @p2 $0x1  }
0x17: {  	s4 =	simm.s32 $0x1BF5;
	[smem:$0x3FBA] =	sst s0  }
0x18: {  	s0 =	sld [smem:$0x3F9D];
	_ =	swait.ge [sflag:s4], $0x0  }
0x19: {  	s7 =	sld [smem:$0x3F9E]  }
0x1a: {  	s8 =	sadd.s32 $0xFFFFE003, lr  }
0x1b: {  	s9 =	sadd.s32 $0xFFFFFEF7, lr;
	s5 =	simm.s32 $0xFFFFFFFF;
	p2 =	slt.u32 s8, $0xFFFFF086  }
0x1c: {  	p1 =	slt.u32 s9, $0xF7A;
	s5 =	simm.s32 @!p2 $0x0  }
0x1d: {  	s5 =	simm.s32 @p1 $0x1;
	p0 =	seq.s32 s7, s2  }
0x1e: {  	s7 =	smul.u32 @!p0 $0xF7A, s2;
	p2 =	seq.s32 @!p0 s5, $0x0  }
0x1f: {  	s9 =	smul.u32 $0xF7A, s1;
	s8 =	simm.s32 @!p0 $0x1BF5;
	p2 =	por !p2, p0  }
0x20: {  	[sflag:s8] =	ssyncset.s32 @!p0 $0xFFFFF086;
	s6 =	sadd.s32 @!p0 s3, s7;
	s7 =	simm.s32 @!p0 $0x108  }
0x21: {  	s3 =	sadd.s32 s3, s9;
	s6 =	sadd.s32 @!p0 $0x88, s6;
	s7 =	simm.s32 @p2 $0x1082  }
0x22: {  	[simem:s7], [sflag:s8] =	dma.local @!p0 [hbm:s6], $0xF7A  }
0x23: {  	s9 =	sor.u32 $0xD0000000, s2;
	s6 =	simm.s32 $0x108;
	_ =	swait.ge @!p0 [sflag:s8], $0x0  }
0x24: {  	s3 =	sadd.s32 $0x88, s3;
	s6 =	simm.s32 @!p1 $0x1082;
	[sflag:s4] =	ssyncset.s32 $0xFFFFF086  }
0x25: {  	[simem:s6], [sflag:s4] =	dma.local [hbm:s3], $0xF7A  }
0x26: {  	[smem:$0x3F9E] =	sst s1;
	(tag) =	ssettag s2;
	_ =	strace s9  }
0x27: {  	s1 =	sld [smem:$0x3FAE]  }
0x28: {  	s2 =	sld [smem:$0x3FAF]  }
0x29: {  	s4 =	sld [smem:$0x3FB1]  }
0x2a: {  	p0 =	seq.s32 s5, $0x0;
	s5 =	sld [smem:$0x3FB2]  }
0x2b: {  	s6 =	sld [smem:$0x3FB3]  }
0x2c: {  	s7 =	sld [smem:$0x3FB4]  }
0x2d: {  	s3 =	simm.s32 $0x108;
	s8 =	sld [smem:$0x3FB5]  }
0x2e: {  	s3 =	simm.s32 @!p0 $0x1082;
	s9 =	sld [smem:$0x3FB6]  }
0x2f: {  	lr =	sadd.s32 s0, s3;
	s0 =	sld [smem:$0x3FAD]  }
0x30: {  	s3 =	sld [smem:$0x3FB0]  }
0x31: {  	[smem:$0x3FB9] =	sst s10  }
0x32: {  	s10 =	sld [smem:$0x3FB7];
	_ =	sdelay $0x3  }
0x33: {  	p0 =	seq.s32 s10, $0x1;
	s10 =	sld [smem:$0x3FB9];
	_ =	sdelay $0x3  }
0x34: {  	[smem:$0x3FB9] =	sst s10  }
0x35: {  	s10 =	sld [smem:$0x3FB8];
	_ =	sdelay $0x3  }
0x36: {  	p1 =	seq.s32 s10, $0x1;
	s10 =	sld [smem:$0x3FB9];
	_ =	sdelay $0x3  }
0x37: {  	[smem:$0x3FB9] =	sst s10  }
0x38: {  	s10 =	sld [smem:$0x3FBA]  }
0x39: {  	_ = 	snop;
	(pc) =	sbr.ind lr, $3  }
0x3a: {  	_ = 	snop  }
0x3b: {  	_ = 	snop  }
0x3c: {  	p2 =	seq.s32 s10, $0x1;
	s10 =	sld [smem:$0x3FB9]  }
0x3d: {  	_ =	shalt  }
0x3e: {  	_ =	shalt  }
0x3f: {  	_ =	shalt  }
0x40: {  	_ =	shalt  }
0x41: {  	_ =	shalt  }
0x42: {  	_ =	shalt  }
0x43: {  	_ =	shalt  }
0x44: {  	_ =	shalt  }
0x45: {  	_ =	shalt  }
0x46: {  	_ =	shalt  }
0x47: {  	_ =	shalt  }
0x48: {  	_ =	shalt  }
0x49: {  	_ =	shalt  }
0x4a: {  	_ =	shalt  }
0x4b: {  	_ =	shalt  }
0x4c: {  	_ =	shalt  }
0x4d: {  	_ =	shalt  }
0x4e: {  	_ =	shalt  }
0x4f: {  	_ =	shalt  }
0x50: {  	_ =	shalt  }
0x51: {  	_ =	shalt  }
0x52: {  	_ =	shalt  }
0x53: {  	_ =	shalt  }
0x54: {  	_ =	shalt  }
0x55: {  	_ =	shalt  }
0x56: {  	_ =	shalt  }
0x57: {  	_ =	shalt  }
0x58: {  	_ =	shalt  }
0x59: {  	_ =	shalt  }
0x5a: {  	_ =	shalt  }
0x5b: {  	_ =	shalt  }
0x5c: {  	_ =	shalt  }
0x5d: {  	_ =	shalt  }
0x5e: {  	_ =	shalt  }
0x5f: {  	_ =	shalt  }
0x60: {  	_ =	shalt  }
0x61: {  	_ =	shalt  }
0x62: {  	_ =	shalt  }
0x63: {  	_ =	shalt  }
0x64: {  	_ =	shalt  }
0x65: {  	_ =	shalt  }
0x66: {  	_ =	shalt  }
0x67: {  	_ =	shalt  }
0x68: {  	_ =	shalt  }
0x69: {  	_ =	shalt  }
0x6a: {  	_ =	shalt  }
0x6b: {  	_ =	shalt  }
0x6c: {  	_ =	shalt  }
0x6d: {  	_ =	shalt  }
0x6e: {  	_ =	shalt  }
0x6f: {  	_ =	shalt  }
0x70: {  	_ =	shalt  }
0x71: {  	_ =	shalt  }
0x72: {  	_ =	shalt  }
0x73: {  	_ =	shalt  }
0x74: {  	_ =	shalt  }
0x75: {  	_ =	shalt  }
0x76: {  	_ =	shalt  }
0x77: {  	_ =	shalt  }
0x78: {  	_ =	shalt  }
0x79: {  	_ =	shalt  }
0x7a: {  	_ =	shalt  }
0x7b: {  	_ =	shalt  }
0x7c: {  	_ =	shalt  }
0x7d: {  	_ =	shalt  }
0x7e: {  	_ =	shalt  }
0x7f: {  	_ =	shalt  }
0x80: {  	_ =	shalt  }
0x81: {  	_ =	shalt  }
0x82: {  	_ =	shalt  }
0x83: {  	_ =	shalt  }
0x84: {  	_ =	shalt  }
0x85: {  	_ =	shalt  }
0x86: {  	_ =	shalt  }
0x87: {  	_ =	shalt  }
.Lfunc_end0:
.L_simem_size_0:
called_computation_lowered:
.L_overlay_start_0:
0x88: {  	s2 =	sld [smem:$0x3FD9]  }
0x89: {  	s3 =	sld [smem:$0x3FFE];
	_ =	sdelay $0x1  }
0x8a: {  	s1 =	srdreg.scid  }
0x8b: {  	s0 =	sand.u32 $0x1, s1  }
0x8c: {  	s17 =	sshll.u32 s0, $0xA;
	s2 =	sadd.s32 s3, s2  }
0x8d: {  	s2 =	sadd.s32 s2, s17  }
0x8e: {  	[smem:$0x3FC5] =	sst s2  }
0x8f: {  	_ = 	snop  }
0x90: {  	s2 =	sld [smem:$0x3FD0];
	(tm) =	ssettm $0x1  }
0x91: {  	s18 =	sld [smem:$0x3FFB];
	_ =	sdelay $0x3  }
0x92: {  	_ =	strace s18  }
0x93: {  	s3 =	sld [smem:$0x3FFC];
	_ =	sdelay $0x3  }
0x94: {  	_ =	strace s3  }
0x95: {  	s3 =	sld [smem:$0x3FFD];
	_ =	sdelay $0x3  }
0x96: {  	_ =	strace s3  }
0x97: {  	_ =	strace $0x8FFFFFFF  }
0x98: {  	s19 =	sld [smem:$0x3FDB];
	_ =	sdelay $0x1  }
0x99: {  	s4 =	simm.s32 $_scs_section_size  }
0x9a: {  	s5 =	simm.s32 $_size__tile_overlayer_lowered;
	s6 =	simm.s32 $_tile_overlayer_lowered  }
0x9b: {  	s22 =	simm.s32 $0x1BFF;
	s21 =	sshll.u32 s6, $0x1;
	s3 =	sadd.s32 s4, s19  }
0x9c: {  	s7 =	simm.s32 $0x0;
	s20 =	sshll.u32 s5, $0x1;
	s5 =	sadd.s32 s21, s3  }
0x9d: {  	[timem:s7], [sflag:s22] =	dma.local [hbm:s5], s20  }
0x9e: {  	_ =	swait.ge [sflag:s22], s20  }
0x9f: {  	s4 =	ssub.s32 $0x0, s20;
	[sflag:s22] =	ssyncset.done $0x0  }
0xa0: {  	[sflag:s22] =	ssyncadd.s32 s4;
	_ =	sdelay $0x1  }
0xa1: {  	s23 =	simm.s32 $0x1B8B  }
0xa2: {  	_ =	swait.ge [sflag:s23], $0x1  }
0xa3: {  	[sflag:s23] =	ssyncset.done $0x0  }
0xa4: {  	s25 =	simm.s32 $0x1B8E;
	s24 =	sld [smem:$0x3FFE];
	[sflag:s23] =	ssyncadd.s32 $0xFFFFFFFF  }
0xa5: {  	s26 =	simm.s32 $execute0_lowered;
	[smem:$0x3FD2] =	sst s25  }
0xa6: {  	s5 =	sshll.u32 s26, $0x1;
	_ =	strace $0x80000046;
	[dreg:$0x1] =	wrdreg $0xFFFFFFFF  }
0xa7: {  	s28 =	simm.s32 $_size_execute0_lowered;
	s3 =	sadd.s32 s3, s5;
	[dreg:$0x0] =	wrdreg $0x0  }
0xa8: {  	s5 =	sshll.u32 s28, $0x1;
	[dreg:$0x2] =	wrdreg s3  }
0xa9: {  	[dreg:$0x3] =	wrdreg s5  }
0xaa: {  	[dreg:$0x4] =	wrdreg $0xC0  }
0xab: {  	_ =	task [dreg:s7], $0x5FFFF  }
0xac: {  	[dreg:$0x1] =	wrdreg $0xFFFFFFFF  }
0xad: {  	[dreg:$0x0] =	wrdreg $0x60  }
0xae: {  	[dreg:$0x2] =	wrdreg s24  }
0xaf: {  	[dreg:$0x3] =	wrdreg s2  }
0xb0: {  	[dreg:$0x4] =	wrdreg $0x9  }
0xb1: {  	_ =	task.clear_ibuf [dreg:s7], $0x5FFFF;
	_ =	strace $0x90000046  }
0xb2: {  	s29 =	simm.s32 $0x9;
	_ =	strace $0x80000048  }
0xb3: {  	_ =	swait.ge [sflag:s29], $0x1  }
0xb4: {  	[sflag:s29] =	ssyncadd.s32 $0xFFFFFFFF  }
0xb5: {  	_ =	strace $0x90000048  }
0xb6: {  	_ =	sfence  }
0xb7: {  	s30 =	sld [smem:$0x0];
	_ =	sdelay $0x2  }
0xb8: {  	s31 =	sshll.u32 s1, $0xD;
	s1 =	sshrl.u32 s1, $0x2  }
0xb9: {  	s3 =	sand.u32 $0x4000, s31;
	s1 =	sadd.s32 s1, s30  }
0xba: {  	s0 =	sor.u32 s3, s0;
	s1 =	sshll.u32 s1, $0x11  }
0xbb: {  	s0 =	sor.u32 s1, s0  }
0xbc: {  	s0 =	sadd.s32 $0x8F2B, s0  }
0xbd: {  	[sflag:s0] =	ssyncadd.remote.s32 $0x1  }
0xbe: {  	_ =	sfence.sel $0xFFFF  }
0xbf: {  	[dreg:$0x0] =	wrdreg $0xFFFFFFFF;
	(pc) =	sbr.abs _section_cstart, $3  }
0xc0: {  	[dreg:$0x1] =	wrdreg $0xFFFFFFFF  }
0xc1: {  	_ =	task.clear_ibuf [dreg:s7], $0x2FFFF;
	_ =	strace $0x9FFFFFFF  }
0xc2: {  	(tm) =	ssettm $0x7FFFFFFF  }
0xc3: {  	_ =	shalt  }
tec
execute0_lowered:
.L_overlay_start_1:
0x0: {  	(tag) =	ssettag $0x1  }
0x1: {  	s7 =	rddreg [dreg:$0x0]  }
0x2: {  	s13 =	rddreg [dreg:$0x1]  }
0x3: {  	s0 =	rddreg [dreg:$0x2];
	s2 =	simm.s32 $0x0;
	s3 =	srdreg.scid  }
0x4: {  	s1 =	stileid.u32;
	s18 =	simm.s32 $0x4F00;
	s19 =	simm.s32 $0x7680  }
0x5: {  	s20 =	simm.s32 $0x9E00;
	s21 =	simm.s32 $0xC580;
	s22 =	simm.s32 $0xED00  }
0x6: {  	s23 =	simm.s32 $0x13C00;
	s24 =	simm.s32 $0x0;
	[smem:$0x7FF] =	sst s2  }
0x7: {  	s6 =	sand.u32 $0x1, s3;
	s5 =	sshll.u32 s1, $0x1;
	s3 =	sadd.s32 $0x15400, s7  }
0x8: {  	s4 =	sadd.s32 $0x15A00, s7;
	s11 =	sadd.s32 $0x1800, s7;
	s9 =	sor.u32 s6, s5  }
0x9: {  	s14 =	sadd.s32 $0xB600, s7;
	p0 =	sgt.u32 s1, $0x1;
	s10 =	smul.u32 $0x4E, s9  }
0xa: {  	_ =	strace $0x80000047;
	s8 =	ssub.s32 $0x2, s6;
	s31 =	smul.u32 $0x4F00, s9  }
0xb: {  	s5 =	sadd.s32 $0x16000, s7;
	s12 =	sshrl.u32 s8, $0x1;
	s16 =	smul.u32 $0x4F0, s9  }
0xc: {  	s6 =	sadd.s32 $0x16600, s7;
	s15 =	ssub.s32 s8, s12;
	s29 =	sadd.s32 $0x4, s10  }
.Ltmp0:
0xd: {  	s17 =	sshrl.u32 s31, $0x3;
	s12 =	sadd.s32 s14, s16;
	(pc) =	sbr.rel .LBB2_1-.Ltmp0, $4  }
0xe: {  	s15 =	smax.u32 s15, $0x1;
	s10 =	sshll.u32 s29, $0x4;
	s30 =	sshll.u32 s29, $0x5  }
0xf: {  	s7 =	sadd.s32 s11, s10;
	s8 =	sadd.s32 s13, s30;
	s9 =	sadd.s32 s14, s10  }
0x10: {  	s11 =	sadd.s32 s11, s16;
	s13 =	sadd.s32 s13, s17;
	s16 =	simm.s32 $0x1  }
0x11: {  	s17 =	simm.s32 $0x2780;
	s10 =	sadd.s32 $0x13880, s8;
	s14 =	sadd.s32 $0x13880, s13  }
.LBB2_7:
0x12: {  	v26 =	vpop (erf)  }
0x13: {  	v26 =	vadd.f32 v26, v26;
	_ =	sdelay $0x1  }
0x14: {  	v26 =	vsub.f32 $1.000000000e+00, v26  }
0x15: {  	s25 =	sadd.s32 $0x100, s26  }
0x16: {  	v27 =	vld.idx.msk [tilespmem:v2+s18+$0x0], $0xffff;
	[tilespmem:s25+$0xFFFFFFF0] =	vst v26  }
0x17: {  	v17 =	vmul.f32 v18, v17;
	v62 =	vsub.f32 $1.000000000e+00, v24;
	v15 =	vld.idx.msk [tilespmem:v15+s19+$0x0], $0xffff  }
0x18: {  	v63 =	vadd.f32 $1.000000000e+00, v25;
	v16 =	vmul.f32 v20, v16;
	(erf) = vrcp.f32 v23;
	v25 =	vpop (erf);
	v14 =	vld.idx.msk [tilespmem:v14+s19+$0x0], $0xffff  }
0x19: {  	[tilespmem:s28+$0x40] =	vst v22;
	v17 =	vadd.f32 $1.000000000e+00, v17;
	v20 =	vadd.f32 v25, v25;
	v26 =	vld.idx.msk [tilespmem:v1+s18+$0x0], $0xffff  }
0x1a: {  	v29 =	vld.idx.msk [tilespmem:v3+s18+$0x0], $0xffff;
	(erf) = vrcp.f32 v63;
	v16 =	vadd.f32 $1.000000000e+00, v16  }
0x1b: {  	v31 =	vld.idx.msk [tilespmem:v9+s18+$0x0], $0xffff;
	[tilespmem:s28+$0x50] =	vst v62;
	(erf) = vrcp.f32 v17;
	v30 =	vsub.f32 $1.000000000e+00, v20  }
0x1c: {  	v19 =	vmul.f32 v21, v19;
	v32 =	vld.idx.msk [tilespmem:v6+s18+$0x0], $0xffff;
	(erf) = vrcp.f32 v16  }
0x1d: {  	v33 =	vpop (erf);
	v34 =	vld.idx.msk [tilespmem:v7+s18+$0x0], $0xffff;
	[tilespmem:s28+$0x60] =	vst v30;
	v14 =	vmul.f32 v14, v15  }
0x1e: {  	v28 =	vadd.f32 $1.000000000e+00, v19;
	v35 =	vpop (erf);
	v36 =	vld.idx.msk [tilespmem:v12+s18+$0x0], $0xffff;
	v21 =	vmul.f32 v27, v26  }
0x1f: {  	v37 =	vpop (erf);
	v38 =	vld.idx.msk [tilespmem:v11+s18+$0x0], $0xffff;
	v14 =	vadd.f32 $1.000000000e+00, v14  }
0x20: {  	v39 =	vpop (erf);
	(erf) = vrcp.f32 v28;
	v16 =	vmul.f32 v31, v29;
	v21 =	vadd.f32 $1.000000000e+00, v21  }
0x21: {  	v40 =	vpop (erf);
	(erf) = vrcp.f32 v14  }
0x22: {  	v16 =	vadd.f32 $1.000000000e+00, v16;
	v15 =	vmul.f32 v34, v32;
	(erf) = vrcp.f32 v21  }
0x23: {  	v41 =	vpop (erf)  }
0x24: {  	v23 =	vmul.f32 v38, v36;
	v42 =	vpop (erf);
	v15 =	vadd.f32 $1.000000000e+00, v15;
	(erf) = vrcp.f32 v16  }
0x25: {  	v43 =	vpop (erf)  }
0x26: {  	v23 =	vadd.f32 $1.000000000e+00, v23;
	v46 =	vadd.f32 v43, v43;
	(erf) = vrcp.f32 v15;
	_ =	sdelay $0x1  }
0x27: {  	v45 =	vadd.f32 v42, v42;
	v17 =	vsub.f32 $1.000000000e+00, v46;
	(erf) = vrcp.f32 v23  }
0x28: {  	v44 =	vpop (erf)  }
0x29: {  	v16 =	vadd.f32 v44, v44;
	v15 =	vsub.f32 $1.000000000e+00, v45;
	[tilespmem:s25+$0xFFFFFFA0] =	vst v17;
	v47 =	vpop (erf)  }
0x2a: {  	v0 =	vld.idx.msk [tilespmem:v0+s19+$0x0], $0xffff;
	v48 =	vpop (erf)  }
0x2b: {  	v16 =	vsub.f32 $1.000000000e+00, v16;
	[tilespmem:s25+$0xFFFFFF90] =	vst v15;
	v5 =	vld.idx.msk [tilespmem:v5+s19+$0x0], $0xffff;
	v49 =	vadd.f32 v48, v48  }
0x2c: {  	v8 =	vld.idx.msk [tilespmem:v8+s19+$0x0], $0xffff;
	v50 =	vpop (erf)  }
0x2d: {  	[tilespmem:s25+$0xFFFFFF80] =	vst v16;
	v4 =	vld.idx.msk [tilespmem:v4+s19+$0x0], $0xffff;
	v51 =	vadd.f32 v50, v50;
	v15 =	vsub.f32 $1.000000000e+00, v49  }
0x2e: {  	v13 =	vld.idx.msk [tilespmem:v13+s19+$0x0], $0xffff;
	v52 =	vpop (erf)  }
0x2f: {  	v10 =	vld.idx.msk [tilespmem:v10+s19+$0x0], $0xffff;
	v21 =	vadd.f32 v52, v52;
	v53 =	vsub.f32 $1.000000000e+00, v51;
	[tilespmem:s25+$0xFFFFFFB0] =	vst v15  }
0x30: {  	v54 =	vpop (erf);
	v55 =	vld.idx.msk [tilespmem:v1+s19+$0x0], $0xffff  }
0x31: {  	v17 =	vadd.f32 v54, v54;
	v56 =	vsub.f32 $1.000000000e+00, v21;
	[tilespmem:s25+$0xFFFFFFC0] =	vst v53;
	v57 =	vld.idx.msk [tilespmem:v2+s19+$0x0], $0xffff  }
0x32: {  	v58 =	vld.idx.msk [tilespmem:v3+s19+$0x0], $0xffff  }
0x33: {  	v59 =	vsub.f32 $1.000000000e+00, v17;
	[tilespmem:s25+$0xFFFFFFD0] =	vst v56;
	v60 =	vld.idx.msk [tilespmem:v9+s19+$0x0], $0xffff  }
0x34: {  	v61 =	vld.idx.msk [tilespmem:v6+s19+$0x0], $0xffff  }
0x35: {  	[tilespmem:s25+$0xFFFFFFE0] =	vst v59;
	v62 =	vld.idx.msk [tilespmem:v7+s19+$0x0], $0xffff  }
0x36: {  	v10 =	vmul.f32 v10, v13;
	v63 =	vld.idx.msk [tilespmem:v12+s19+$0x0], $0xffff  }
0x37: {  	v4 =	vmul.f32 v4, v8;
	v17 =	vld.idx.msk [tilespmem:v11+s19+$0x0], $0xffff  }
0x38: {  	v0 =	vmul.f32 v5, v0;
	v10 =	vadd.f32 $1.000000000e+00, v10  }
0x39: {  	v4 =	vadd.f32 $1.000000000e+00, v4;
	v1 =	vmul.f32 v57, v55  }
0x3a: {  	v0 =	vadd.f32 $1.000000000e+00, v0;
	(erf) = vrcp.f32 v10;
	v21 =	vmul.f32 v60, v58  }
0x3b: {  	(erf) = vrcp.f32 v4;
	v1 =	vadd.f32 $1.000000000e+00, v1;
	v23 =	vmul.f32 v62, v61  }
0x3c: {  	(erf) = vrcp.f32 v0;
	v24 =	vadd.f32 $1.000000000e+00, v21;
	v26 =	vmul.f32 v17, v63  }
0x3d: {  	v29 =	vadd.f32 v35, v35;
	(erf) = vrcp.f32 v1;
	v28 =	vadd.f32 $1.000000000e+00, v23  }
0x3e: {  	v27 =	vadd.f32 v33, v33;
	(erf) = vrcp.f32 v24;
	v30 =	vadd.f32 $1.000000000e+00, v26  }
0x3f: {  	v33 =	vsub.f32 $1.000000000e+00, v29;
	v32 =	vadd.f32 v37, v37;
	(erf) = vrcp.f32 v28  }
0x40: {  	v34 =	vadd.f32 v39, v39;
	v31 =	vsub.f32 $1.000000000e+00, v27;
	(erf) = vrcp.f32 v30  }
0x41: {  	v36 =	vadd.f32 v40, v40;
	[tilespmem:s29+$0x20] =	vst v33;
	v35 =	vsub.f32 $1.000000000e+00, v32  }
0x42: {  	v38 =	vadd.f32 v41, v41;
	v37 =	vsub.f32 $1.000000000e+00, v34;
	[tilespmem:s29+$0x10] =	vst v31  }
0x43: {  	v40 =	vsub.f32 $1.000000000e+00, v36;
	[tilespmem:s29+$0x30] =	vst v35;
	v41 =	vadd.f32 v47, v47;
	v39 =	vpop (erf)  }
0x44: {  	v42 =	vsub.f32 $1.000000000e+00, v38;
	[tilespmem:s29+$0x40] =	vst v37;
	v43 =	vadd.f32 v39, v39;
	v44 =	vpop (erf)  }
0x45: {  	[tilespmem:s29+$0x50] =	vst v40;
	v45 =	vsub.f32 $1.000000000e+00, v41;
	v46 =	vadd.f32 v44, v44;
	v47 =	vpop (erf)  }
0x46: {  	[tilespmem:s29+$0x60] =	vst v42;
	v48 =	vsub.f32 $1.000000000e+00, v43;
	v49 =	vadd.f32 v47, v47;
	v50 =	vpop (erf)  }
0x47: {  	[tilespmem:s25+$0x70] =	vst v45;
	v51 =	vsub.f32 $1.000000000e+00, v46;
	v52 =	vadd.f32 v50, v50;
	v53 =	vpop (erf)  }
0x48: {  	[tilespmem:s25+$0x0] =	vst v48;
	v54 =	vsub.f32 $1.000000000e+00, v49;
	v55 =	vadd.f32 v53, v53;
	v56 =	vpop (erf)  }
0x49: {  	[tilespmem:s25+$0x10] =	vst v51;
	v57 =	vsub.f32 $1.000000000e+00, v52;
	v58 =	vadd.f32 v56, v56;
	v59 =	vpop (erf)  }
0x4a: {  	[tilespmem:s25+$0x20] =	vst v54;
	v60 =	vsub.f32 $1.000000000e+00, v55;
	v61 =	vadd.f32 v59, v59  }
0x4b: {  	[tilespmem:s25+$0x30] =	vst v57;
	v62 =	vsub.f32 $1.000000000e+00, v58  }
0x4c: {  	[tilespmem:s25+$0x40] =	vst v60;
	v63 =	vsub.f32 $1.000000000e+00, v61  }
0x4d: {  	[tilespmem:s25+$0x50] =	vst v62  }
0x4e: {  	[tilespmem:s25+$0x60] =	vst v63  }
0x4f: {  	[hbm4b:s8+s2] =	stream.linear.scatter [tilespmem:s22], [sflag:$0x1], $0x4E00, $0x38;
	[tilespmem:$0x18B00] =	vst v63  }
0x50: {  	_ =	swait.ge [sflag:s16], $0x4E00  }
0x51: {  	[sflag:s16] =	ssyncset.done $0x0  }
0x52: {  	[sflag:s16] =	ssyncadd.s32 $0xFFFFB200  }
0x53: {  	[hbm4b:s10+s2] =	stream.linear.scatter [tilespmem:s23], [sflag:$0x1], $0x4E00, $0x38;
	[tilespmem:$0x18B00] =	vst v63  }
0x54: {  	_ =	swait.ge [sflag:s16], $0x4E00  }
0x55: {  	[sflag:s16] =	ssyncset.done $0x0  }
0x56: {  	[sflag:s16] =	ssyncadd.s32 $0xFFFFB200  }
.LBB2_8:
0x57: {  	s24 =	sadd.s32 $0x1, s24  }
0x58: {  	p1 =	sne.s32 s24, s15  }
.Ltmp1:
0x59: {  	_ = 	snop;
	(pc) =	sbr.rel @!p1 .LBB2_9-.Ltmp1, $1  }
0x5a: {  	_ =	sdelay $0x3  }
.LBB2_1:
0x5b: {  	[tilespmem:s2], [sflag:$0x1] =	stream.linear.gather [hbm4b:s3+s2], $0x2780, $0x38;
	[tilespmem:$0x18B00] =	vst v63  }
0x5c: {  	_ =	swait.ge [sflag:s16], $0x2780  }
0x5d: {  	[sflag:s16] =	ssyncset.done $0x0  }
0x5e: {  	[sflag:s16] =	ssyncadd.s32 $0xFFFFD880  }
0x5f: {  	[tilespmem:s17], [sflag:$0x1] =	stream.linear.gather [hbm4b:s4+s2], $0x2780, $0x38;
	[tilespmem:$0x18B00] =	vst v63  }
0x60: {  	_ =	swait.ge [sflag:s16], $0x2780  }
0x61: {  	[sflag:s16] =	ssyncset.done $0x0  }
0x62: {  	[sflag:s16] =	ssyncadd.s32 $0xFFFFD880  }
0x63: {  	[tilespmem:s18], [sflag:$0x1] =	stream.linear.gather [hbm4b:s5+s2], $0x2780, $0x38;
	[tilespmem:$0x18B00] =	vst v63  }
0x64: {  	_ =	swait.ge [sflag:s16], $0x2780  }
0x65: {  	[sflag:s16] =	ssyncset.done $0x0  }
.Ltmp2:
0x66: {  	[sflag:s16] =	ssyncadd.s32 $0xFFFFD880;
	(pc) =	sbr.rel @p0 .LBB2_5-.Ltmp2, $4  }
0x67: {  	[tilespmem:s19], [sflag:$0x1] =	stream.linear.gather [hbm4b:s6+s2], $0x2780, $0x38;
	[tilespmem:$0x18B00] =	vst v63  }
0x68: {  	_ =	swait.ge [sflag:s16], $0x2780  }
0x69: {  	[sflag:s16] =	ssyncset.done $0x0  }
0x6a: {  	[sflag:s16] =	ssyncadd.s32 $0xFFFFD880  }
0x6b: {  	[tilespmem:s20], [sflag:$0x1] =	stream.linear.gather [hbm4b:s11+s2], $0x2780, $0x38;
	[tilespmem:$0x18B00] =	vst v63  }
0x6c: {  	_ =	swait.ge [sflag:s16], $0x2780  }
0x6d: {  	[sflag:s16] =	ssyncset.done $0x0  }
0x6e: {  	[sflag:s16] =	ssyncadd.s32 $0xFFFFD880  }
0x6f: {  	[tilespmem:s21], [sflag:$0x1] =	stream.linear.gather [hbm4b:s12+s2], $0x2780, $0x38;
	[tilespmem:$0x18B00] =	vst v63  }
0x70: {  	_ =	swait.ge [sflag:s16], $0x2780  }
0x71: {  	[sflag:s16] =	ssyncset.done $0x0  }
0x72: {  	s25 =	simm.s32 $0x9E40;
	[sflag:s16] =	ssyncadd.s32 $0xFFFFD880  }
0x73: {  	s26 =	simm.s32 $0xC5C0;
	v1 =	vld [tilespmem:s25+$0x30]  }
0x74: {  	v2 =	vld [tilespmem:s26+$0x30];
	_ =	sdelay $0x2  }
0x75: {  	v28 =	vld [tilespmem:s26+$0xFFFFFFC0]  }
0x76: {  	v27 =	vld [tilespmem:s25+$0xFFFFFFD0]  }
0x77: {  	v26 =	vld [tilespmem:s26+$0xFFFFFFD0]  }
0x78: {  	v25 =	vld [tilespmem:s25+$0xFFFFFFE0]  }
0x79: {  	v0 =	vld.idx.msk [tilespmem:v1+s2+$0x0], $0xffff  }
0x7a: {  	v3 =	vld.idx.msk [tilespmem:v2+s2+$0x0], $0xffff  }
0x7b: {  	v24 =	vld [tilespmem:s26+$0xFFFFFFE0]  }
0x7c: {  	v23 =	vld [tilespmem:s25+$0xFFFFFFF0]  }
0x7d: {  	v22 =	vld [tilespmem:s26+$0xFFFFFFF0]  }
0x7e: {  	v21 =	vld [tilespmem:s25+$0x0]  }
0x7f: {  	v20 =	vld [tilespmem:s26+$0x0];
	v0 =	vmul.f32 v3, v0  }
0x80: {  	v19 =	vld [tilespmem:s25+$0x10]  }
0x81: {  	v18 =	vld [tilespmem:s26+$0x10];
	v0 =	vadd.f32 $1.000000000e+00, v0  }
0x82: {  	v17 =	vld [tilespmem:s25+$0x20]  }
0x83: {  	v29 =	vld [tilespmem:s25+$0xFFFFFFC0];
	(erf) = vrcp.f32 v0  }
0x84: {  	v16 =	vld [tilespmem:s26+$0x20]  }
0x85: {  	v4 =	vld.idx.msk [tilespmem:v26+s2+$0x0], $0xffff  }
0x86: {  	v5 =	vld.idx.msk [tilespmem:v25+s2+$0x0], $0xffff  }
0x87: {  	v6 =	vld.idx.msk [tilespmem:v24+s2+$0x0], $0xffff  }
0x88: {  	v3 =	vld.idx.msk [tilespmem:v27+s2+$0x0], $0xffff  }
0x89: {  	v7 =	vld.idx.msk [tilespmem:v23+s2+$0x0], $0xffff  }
0x8a: {  	v8 =	vld.idx.msk [tilespmem:v22+s2+$0x0], $0xffff  }
0x8b: {  	v9 =	vld.idx.msk [tilespmem:v29+s2+$0x0], $0xffff  }
0x8c: {  	v0 =	vld.idx.msk [tilespmem:v28+s2+$0x0], $0xffff;
	v10 =	vpop (erf)  }
0x8d: {  	v11 =	vld.idx.msk [tilespmem:v20+s2+$0x0], $0xffff;
	v3 =	vmul.f32 v4, v3;
	v10 =	vadd.f32 v10, v10  }
0x8e: {  	v12 =	vld.idx.msk [tilespmem:v18+s2+$0x0], $0xffff  }
0x8f: {  	v5 =	vmul.f32 v6, v5;
	v4 =	vld.idx.msk [tilespmem:v21+s2+$0x0], $0xffff;
	v3 =	vadd.f32 $1.000000000e+00, v3;
	v10 =	vsub.f32 $1.000000000e+00, v10  }
0x90: {  	s29 =	simm.s32 $0xED80;
	v6 =	vld.idx.msk [tilespmem:v19+s2+$0x0], $0xffff;
	v7 =	vmul.f32 v8, v7  }
0x91: {  	v8 =	vld.idx.msk [tilespmem:v17+s2+$0x0], $0xffff;
	v5 =	vadd.f32 $1.000000000e+00, v5;
	(erf) = vrcp.f32 v3;
	v0 =	vmul.f32 v0, v9;
	[tilespmem:s29+$0xFFFFFFF0] =	vst v10  }
0x92: {  	v7 =	vadd.f32 $1.000000000e+00, v7;
	v9 =	vld.idx.msk [tilespmem:v1+s17+$0x0], $0xffff  }
0x93: {  	(erf) = vrcp.f32 v5;
	v0 =	vadd.f32 $1.000000000e+00, v0;
	v5 =	vld.idx.msk [tilespmem:v2+s17+$0x0], $0xffff  }
0x94: {  	v3 =	vld.idx.msk [tilespmem:v16+s2+$0x0], $0xffff;
	v4 =	vmul.f32 v11, v4;
	(erf) = vrcp.f32 v7  }
0x95: {  	(erf) = vrcp.f32 v0  }
0x96: {  	v0 =	vadd.f32 $1.000000000e+00, v4  }
0x97: {  	v4 =	vmul.f32 v12, v6  }
0x98: {  	(erf) = vrcp.f32 v0;
	v0 =	vmul.f32 v5, v9  }
0x99: {  	v3 =	vmul.f32 v3, v8;
	v4 =	vadd.f32 $1.000000000e+00, v4  }
0x9a: {  	v5 =	vpop (erf);
	v0 =	vadd.f32 $1.000000000e+00, v0  }
0x9b: {  	v3 =	vadd.f32 $1.000000000e+00, v3;
	(erf) = vrcp.f32 v4;
	v4 =	vadd.f32 v5, v5  }
0x9c: {  	v5 =	vpop (erf)  }
0x9d: {  	(erf) = vrcp.f32 v3;
	v3 =	vsub.f32 $1.000000000e+00, v4;
	v4 =	vadd.f32 v5, v5;
	v5 =	vpop (erf)  }
0x9e: {  	(erf) = vrcp.f32 v0;
	v0 =	vpop (erf)  }
0x9f: {  	v0 =	vadd.f32 v0, v0  }
0xa0: {  	[tilespmem:s29+$0xFFFFFF90] =	vst v3;
	v3 =	vsub.f32 $1.000000000e+00, v4  }
0xa1: {  	v5 =	vadd.f32 v5, v5;
	v0 =	vsub.f32 $1.000000000e+00, v0  }
0xa2: {  	v4 =	vld.idx.msk [tilespmem:v27+s17+$0x0], $0xffff  }
0xa3: {  	v6 =	vld.idx.msk [tilespmem:v26+s17+$0x0], $0xffff;
	v5 =	vsub.f32 $1.000000000e+00, v5;
	[tilespmem:s29+$0xFFFFFFA0] =	vst v3  }
0xa4: {  	v7 =	vld.idx.msk [tilespmem:v25+s17+$0x0], $0xffff;
	v3 =	vpop (erf)  }
0xa5: {  	v8 =	vld.idx.msk [tilespmem:v24+s17+$0x0], $0xffff;
	v3 =	vadd.f32 v3, v3;
	[tilespmem:s29+$0xFFFFFF80] =	vst v0;
	v0 =	vpop (erf)  }
0xa6: {  	v9 =	vld.idx.msk [tilespmem:v29+s17+$0x0], $0xffff;
	v0 =	vadd.f32 v0, v0  }
0xa7: {  	[tilespmem:s29+$0xFFFFFFB0] =	vst v5;
	v3 =	vsub.f32 $1.000000000e+00, v3;
	v10 =	vld.idx.msk [tilespmem:v28+s17+$0x0], $0xffff;
	v5 =	vpop (erf)  }
0xa8: {  	v11 =	vld.idx.msk [tilespmem:v23+s17+$0x0], $0xffff;
	v4 =	vmul.f32 v6, v4;
	v6 =	vpop (erf);
	v0 =	vsub.f32 $1.000000000e+00, v0  }
0xa9: {  	[tilespmem:s29+$0xFFFFFFC0] =	vst v3;
	v3 =	vld.idx.msk [tilespmem:v22+s17+$0x0], $0xffff;
	v6 =	vadd.f32 v6, v6  }
0xaa: {  	v4 =	vadd.f32 $1.000000000e+00, v4;
	v12 =	vld.idx.msk [tilespmem:v21+s17+$0x0], $0xffff;
	[tilespmem:s29+$0xFFFFFFD0] =	vst v0  }
0xab: {  	v7 =	vmul.f32 v8, v7;
	v6 =	vsub.f32 $1.000000000e+00, v6;
	v8 =	vld.idx.msk [tilespmem:v19+s17+$0x0], $0xffff  }
0xac: {  	(erf) = vrcp.f32 v4;
	v4 =	vmul.f32 v10, v9;
	v9 =	vld.idx.msk [tilespmem:v18+s17+$0x0], $0xffff  }
0xad: {  	v7 =	vadd.f32 $1.000000000e+00, v7;
	v0 =	vld.idx.msk [tilespmem:v20+s17+$0x0], $0xffff;
	[tilespmem:s29+$0x70] =	vst v6  }
0xae: {  	v4 =	vadd.f32 $1.000000000e+00, v4;
	v6 =	vld.idx.msk [tilespmem:v1+s18+$0x0], $0xffff  }
0xaf: {  	(erf) = vrcp.f32 v7;
	v3 =	vmul.f32 v3, v11;
	v7 =	vld.idx.msk [tilespmem:v2+s18+$0x0], $0xffff  }
0xb0: {  	(erf) = vrcp.f32 v4  }
0xb1: {  	s28 =	simm.s32 $0x9EC0;
	v4 =	vadd.f32 v5, v5;
	v3 =	vadd.f32 $1.000000000e+00, v3;
	v5 =	vmul.f32 v9, v8  }
0xb2: {  	v15 =	vld [tilespmem:s28+$0x30];
	s25 =	simm.s32 $0xC640;
	v0 =	vmul.f32 v0, v12  }
0xb3: {  	v14 =	vld [tilespmem:s25+$0x30];
	(erf) = vrcp.f32 v3  }
0xb4: {  	v10 =	vld [tilespmem:s25+$0xFFFFFFC0];
	v0 =	vadd.f32 $1.000000000e+00, v0;
	v6 =	vmul.f32 v7, v6;
	v3 =	vadd.f32 $1.000000000e+00, v5  }
0xb5: {  	v4 =	vsub.f32 $1.000000000e+00, v4;
	v5 =	vpop (erf)  }
0xb6: {  	(erf) = vrcp.f32 v0;
	v0 =	vadd.f32 v5, v5;
	v5 =	vadd.f32 $1.000000000e+00, v6  }
0xb7: {  	v8 =	vld [tilespmem:s28+$0xFFFFFFD0];
	(erf) = vrcp.f32 v3  }
0xb8: {  	v3 =	vpop (erf);
	(erf) = vrcp.f32 v5;
	_ =	sdelay $0x1  }
0xb9: {  	v35 =	vld.idx.msk [tilespmem:v15+s2+$0x0], $0xffff;
	[tilespmem:s29+$0xFFFFFFE0] =	vst v4;
	v4 =	vpop (erf)  }
0xba: {  	v36 =	vld.idx.msk [tilespmem:v14+s2+$0x0], $0xffff;
	v0 =	vsub.f32 $1.000000000e+00, v0;
	v4 =	vadd.f32 v4, v4  }
0xbb: {  	v50 =	vld.idx.msk [tilespmem:v10+s2+$0x0], $0xffff  }
0xbc: {  	v6 =	vld.idx.msk [tilespmem:v16+s17+$0x0], $0xffff;
	[tilespmem:s29+$0x10] =	vst v0;
	v0 =	vsub.f32 $1.000000000e+00, v4  }
0xbd: {  	v3 =	vadd.f32 v3, v3;
	v5 =	vld.idx.msk [tilespmem:v17+s17+$0x0], $0xffff;
	v32 =	vpop (erf)  }
0xbe: {  	v51 =	vld.idx.msk [tilespmem:v8+s2+$0x0], $0xffff;
	v33 =	vpop (erf)  }
0xbf: {  	v3 =	vsub.f32 $1.000000000e+00, v3;
	v7 =	vld.idx.msk [tilespmem:v27+s18+$0x0], $0xffff;
	v34 =	vpop (erf)  }
0xc0: {  	v4 =	vld [tilespmem:s25+$0xFFFFFFD0];
	[tilespmem:s29+$0x0] =	vst v0;
	v0 =	vpop (erf)  }
0xc1: {  	[tilespmem:s29+$0x20] =	vst v3;
	v3 =	vld.idx.msk [tilespmem:v26+s18+$0x0], $0xffff;
	v0 =	vadd.f32 v0, v0  }
0xc2: {  	v9 =	vld.idx.msk [tilespmem:v25+s18+$0x0], $0xffff  }
0xc3: {  	v11 =	vld.idx.msk [tilespmem:v24+s18+$0x0], $0xffff;
	v30 =	vsub.f32 $1.000000000e+00, v0  }
0xc4: {  	s26 =	simm.s32 $0x13C80;
	v12 =	vld.idx.msk [tilespmem:v29+s18+$0x0], $0xffff  }
0xc5: {  	v13 =	vld.idx.msk [tilespmem:v28+s18+$0x0], $0xffff;
	[tilespmem:s26+$0xFFFFFFF0] =	vst v30  }
0xc6: {  	v30 =	vld.idx.msk [tilespmem:v1+s19+$0x0], $0xffff  }
0xc7: {  	v3 =	vmul.f32 v3, v7;
	v31 =	vld.idx.msk [tilespmem:v2+s19+$0x0], $0xffff  }
0xc8: {  	v7 =	vmul.f32 v11, v9;
	v9 =	vld [tilespmem:s25+$0x0];
	v2 =	vmul.f32 v6, v5  }
0xc9: {  	v11 =	vadd.f32 $1.000000000e+00, v3;
	v3 =	vld [tilespmem:s28+$0x0]  }
0xca: {  	v0 =	vld [tilespmem:s28+$0xFFFFFFE0];
	v6 =	vadd.f32 $1.000000000e+00, v2  }
0xcb: {  	v12 =	vmul.f32 v13, v12;
	v37 =	vld.idx.msk [tilespmem:v4+s2+$0x0], $0xffff  }
0xcc: {  	v7 =	vadd.f32 $1.000000000e+00, v7;
	v5 =	vld [tilespmem:s25+$0xFFFFFFE0];
	(erf) = vrcp.f32 v6;
	v13 =	vmul.f32 v31, v30  }
0xcd: {  	v1 =	vld [tilespmem:s28+$0xFFFFFFF0];
	(erf) = vrcp.f32 v11;
	v11 =	vadd.f32 $1.000000000e+00, v12  }
0xce: {  	v49 =	vmul.f32 v36, v35;
	v2 =	vld [tilespmem:s25+$0xFFFFFFF0];
	(erf) = vrcp.f32 v7;
	v13 =	vadd.f32 $1.000000000e+00, v13  }
0xcf: {  	v6 =	vld [tilespmem:s28+$0x10];
	(erf) = vrcp.f32 v11  }
0xd0: {  	v30 =	vadd.f32 $1.000000000e+00, v49;
	(erf) = vrcp.f32 v13;
	v13 =	vld [tilespmem:s28+$0xFFFFFFC0]  }
0xd1: {  	v12 =	vld [tilespmem:s28+$0x20]  }
0xd2: {  	v39 =	vld.idx.msk [tilespmem:v0+s2+$0x0], $0xffff;
	(erf) = vrcp.f32 v30  }
0xd3: {  	v7 =	vld [tilespmem:s25+$0x10]  }
0xd4: {  	v32 =	vadd.f32 v32, v32;
	v11 =	vld [tilespmem:s25+$0x20]  }
0xd5: {  	v33 =	vadd.f32 v33, v33;
	v41 =	vld.idx.msk [tilespmem:v5+s2+$0x0], $0xffff  }
0xd6: {  	v32 =	vsub.f32 $1.000000000e+00, v32;
	v42 =	vld.idx.msk [tilespmem:v1+s2+$0x0], $0xffff;
	v38 =	vpop (erf)  }
0xd7: {  	v33 =	vsub.f32 $1.000000000e+00, v33;
	v36 =	vmul.f32 v37, v51;
	v44 =	vld.idx.msk [tilespmem:v2+s2+$0x0], $0xffff;
	v40 =	vpop (erf)  }
0xd8: {  	[tilespmem:s29+$0x30] =	vst v32;
	v31 =	vpop (erf);
	v45 =	vld.idx.msk [tilespmem:v13+s2+$0x0], $0xffff  }
0xd9: {  	v58 =	vadd.f32 v34, v34;
	v34 =	vld.idx.msk [tilespmem:v22+s18+$0x0], $0xffff;
	[tilespmem:s29+$0x40] =	vst v33;
	v36 =	vadd.f32 $1.000000000e+00, v36;
	v43 =	vpop (erf)  }
0xda: {  	v63 =	vld.idx.msk [tilespmem:v21+s18+$0x0], $0xffff;
	v30 =	vpop (erf)  }
0xdb: {  	v47 =	vld.idx.msk [tilespmem:v9+s2+$0x0], $0xffff;
	v39 =	vmul.f32 v41, v39;
	(erf) = vrcp.f32 v36;
	v46 =	vpop (erf)  }
0xdc: {  	v52 =	vld.idx.msk [tilespmem:v3+s2+$0x0], $0xffff;
	v42 =	vmul.f32 v44, v42;
	v46 =	vadd.f32 v46, v46  }
0xdd: {  	v53 =	vld.idx.msk [tilespmem:v6+s2+$0x0], $0xffff;
	v39 =	vadd.f32 $1.000000000e+00, v39;
	v35 =	vmul.f32 v50, v45  }
0xde: {  	v55 =	vld.idx.msk [tilespmem:v12+s2+$0x0], $0xffff;
	v42 =	vadd.f32 $1.000000000e+00, v42;
	v46 =	vsub.f32 $1.000000000e+00, v46  }
0xdf: {  	s28 =	simm.s32 $0xEE80;
	v54 =	vld.idx.msk [tilespmem:v7+s2+$0x0], $0xffff;
	(erf) = vrcp.f32 v39;
	v59 =	vadd.f32 $1.000000000e+00, v35  }
0xe0: {  	v56 =	vld.idx.msk [tilespmem:v11+s2+$0x0], $0xffff;
	(erf) = vrcp.f32 v42;
	[tilespmem:s28+$0xFFFFFFF0] =	vst v46  }
0xe1: {  	v32 =	vsub.f32 $1.000000000e+00, v58;
	v37 =	vmul.f32 v47, v52;
	v57 =	vld.idx.msk [tilespmem:v15+s17+$0x0], $0xffff;
	(erf) = vrcp.f32 v59  }
0xe2: {  	v47 =	vadd.f32 v43, v43;
	v60 =	vld.idx.msk [tilespmem:v14+s17+$0x0], $0xffff  }
0xe3: {  	[tilespmem:s29+$0x50] =	vst v32;
	v48 =	vld.idx.msk [tilespmem:v20+s18+$0x0], $0xffff;
	v37 =	vadd.f32 $1.000000000e+00, v37  }
0xe4: {  	v49 =	vld.idx.msk [tilespmem:v19+s18+$0x0], $0xffff;
	v61 =	vadd.f32 v38, v38;
	v62 =	vmul.f32 v54, v53;
	v33 =	vsub.f32 $1.000000000e+00, v47;
	v51 =	vpop (erf)  }
0xe5: {  	v52 =	vld.idx.msk [tilespmem:v18+s18+$0x0], $0xffff;
	v36 =	vmul.f32 v56, v55;
	v53 =	vadd.f32 v51, v51  }
0xe6: {  	v42 =	vld.idx.msk [tilespmem:v23+s18+$0x0], $0xffff;
	v38 =	vadd.f32 $1.000000000e+00, v62;
	[tilespmem:s26+$0xFFFFFF80] =	vst v33;
	v46 =	vsub.f32 $1.000000000e+00, v61;
	(erf) = vrcp.f32 v37  }
0xe7: {  	v29 =	vld.idx.msk [tilespmem:v29+s19+$0x0], $0xffff;
	v58 =	vsub.f32 $1.000000000e+00, v53;
	v35 =	vmul.f32 v60, v57  }
0xe8: {  	v50 =	vadd.f32 v40, v40;
	v36 =	vadd.f32 $1.000000000e+00, v36;
	v28 =	vld.idx.msk [tilespmem:v28+s19+$0x0], $0xffff;
	[tilespmem:s29+$0x60] =	vst v46;
	(erf) = vrcp.f32 v38;
	v56 =	vpop (erf)  }
0xe9: {  	v54 =	vld.idx.msk [tilespmem:v17+s18+$0x0], $0xffff;
	[tilespmem:s28+$0xFFFFFF90] =	vst v58;
	v59 =	vpop (erf);
	v55 =	vadd.f32 $1.000000000e+00, v35;
	v35 =	vadd.f32 v56, v56  }
0xea: {  	v62 =	vmul.f32 v48, v63;
	v32 =	vsub.f32 $1.000000000e+00, v50;
	(erf) = vrcp.f32 v36;
	v36 =	vld.idx.msk [tilespmem:v8+s17+$0x0], $0xffff;
	v61 =	vpop (erf)  }
0xeb: {  	v63 =	vld.idx.msk [tilespmem:v4+s17+$0x0], $0xffff;
	(erf) = vrcp.f32 v55;
	v60 =	vsub.f32 $1.000000000e+00, v35;
	v35 =	vadd.f32 v61, v61  }
0xec: {  	v34 =	vmul.f32 v34, v42;
	[tilespmem:s26+$0xFFFFFF90] =	vst v32;
	v57 =	vld.idx.msk [tilespmem:v16+s18+$0x0], $0xffff  }
0xed: {  	v46 =	vmul.f32 v52, v49;
	v27 =	vld.idx.msk [tilespmem:v27+s19+$0x0], $0xffff;
	v32 =	vadd.f32 v59, v59;
	[tilespmem:s28+$0xFFFFFFA0] =	vst v60;
	v35 =	vsub.f32 $1.000000000e+00, v35  }
0xee: {  	v45 =	vadd.f32 $1.000000000e+00, v34;
	v38 =	vadd.f32 $1.000000000e+00, v62;
	v48 =	vld.idx.msk [tilespmem:v0+s17+$0x0], $0xffff  }
0xef: {  	v28 =	vmul.f32 v28, v29;
	v34 =	vadd.f32 $1.000000000e+00, v46;
	v32 =	vsub.f32 $1.000000000e+00, v32;
	v47 =	vpop (erf);
	v49 =	vld.idx.msk [tilespmem:v5+s17+$0x0], $0xffff;
	[tilespmem:s28+$0xFFFFFF80] =	vst v35  }
0xf0: {  	v36 =	vmul.f32 v63, v36;
	(erf) = vrcp.f32 v45;
	v37 =	vadd.f32 v47, v47;
	v53 =	vld.idx.msk [tilespmem:v13+s17+$0x0], $0xffff  }
0xf1: {  	v28 =	vadd.f32 $1.000000000e+00, v28;
	v50 =	vmul.f32 v57, v54;
	v51 =	vpop (erf);
	(erf) = vrcp.f32 v38;
	v55 =	vld.idx.msk [tilespmem:v10+s17+$0x0], $0xffff  }
0xf2: {  	v26 =	vld.idx.msk [tilespmem:v26+s19+$0x0], $0xffff;
	[tilespmem:s28+$0xFFFFFFB0] =	vst v32;
	v39 =	vadd.f32 v51, v51;
	v37 =	vsub.f32 $1.000000000e+00, v37  }
0xf3: {  	v52 =	vld.idx.msk [tilespmem:v1+s17+$0x0], $0xffff;
	v36 =	vadd.f32 $1.000000000e+00, v36;
	v33 =	vadd.f32 $1.000000000e+00, v50;
	v54 =	vpop (erf)  }
0xf4: {  	v57 =	vld.idx.msk [tilespmem:v2+s17+$0x0], $0xffff;
	(erf) = vrcp.f32 v34;
	v29 =	vadd.f32 v54, v54;
	v56 =	vsub.f32 $1.000000000e+00, v39;
	[tilespmem:s28+$0xFFFFFFC0] =	vst v37;
	v58 =	vpop (erf)  }
0xf5: {  	(erf) = vrcp.f32 v33;
	v59 =	vld.idx.msk [tilespmem:v3+s17+$0x0], $0xffff;
	v32 =	vmul.f32 v49, v48;
	v39 =	vadd.f32 v58, v58  }
0xf6: {  	(erf) = vrcp.f32 v28;
	v29 =	vsub.f32 $1.000000000e+00, v29;
	[tilespmem:s28+$0xFFFFFFD0] =	vst v56;
	v60 =	vld.idx.msk [tilespmem:v9+s17+$0x0], $0xffff;
	v41 =	vmul.f32 v55, v53  }
0xf7: {  	v61 =	vld.idx.msk [tilespmem:v6+s17+$0x0], $0xffff;
	(erf) = vrcp.f32 v36;
	v62 =	vadd.f32 $1.000000000e+00, v32;
	v39 =	vsub.f32 $1.000000000e+00, v39  }
0xf8: {  	v31 =	vadd.f32 v31, v31;
	[tilespmem:s28+$0xFFFFFFE0] =	vst v29;
	v63 =	vld.idx.msk [tilespmem:v7+s17+$0x0], $0xffff;
	v32 =	vadd.f32 $1.000000000e+00, v41  }
0xf9: {  	v30 =	vadd.f32 v30, v30;
	v35 =	vmul.f32 v57, v52;
	v42 =	vld.idx.msk [tilespmem:v12+s17+$0x0], $0xffff;
	v43 =	vpop (erf);
	(erf) = vrcp.f32 v62;
	[tilespmem:s28+$0x70] =	vst v39  }
0xfa: {  	v31 =	vsub.f32 $1.000000000e+00, v31;
	v45 =	vadd.f32 v43, v43;
	v47 =	vpop (erf);
	v44 =	vld.idx.msk [tilespmem:v15+s18+$0x0], $0xffff;
	(erf) = vrcp.f32 v32  }
0xfb: {  	v30 =	vsub.f32 $1.000000000e+00, v30;
	v35 =	vadd.f32 $1.000000000e+00, v35;
	v33 =	vmul.f32 v60, v59;
	v46 =	vld.idx.msk [tilespmem:v14+s18+$0x0], $0xffff  }
0xfc: {  	[tilespmem:s26+$0xFFFFFFA0] =	vst v31;
	v48 =	vld.idx.msk [tilespmem:v11+s17+$0x0], $0xffff;
	v49 =	vadd.f32 v47, v47;
	v28 =	vsub.f32 $1.000000000e+00, v45  }
0xfd: {  	v25 =	vld.idx.msk [tilespmem:v25+s19+$0x0], $0xffff;
	v26 =	vmul.f32 v26, v27;
	v50 =	vpop (erf);
	v29 =	vmul.f32 v63, v61;
	v33 =	vadd.f32 $1.000000000e+00, v33  }
0xfe: {  	v24 =	vld.idx.msk [tilespmem:v24+s19+$0x0], $0xffff;
	v52 =	vpop (erf);
	[tilespmem:s26+$0xFFFFFFB0] =	vst v28;
	v51 =	vsub.f32 $1.000000000e+00, v49;
	v32 =	vadd.f32 v50, v50;
	(erf) = vrcp.f32 v35  }
0xff: {  	v26 =	vadd.f32 $1.000000000e+00, v26;
	v54 =	vpop (erf);
	v29 =	vadd.f32 $1.000000000e+00, v29;
	v23 =	vld.idx.msk [tilespmem:v23+s19+$0x0], $0xffff;
	(erf) = vrcp.f32 v33  }
0x100: {  	v31 =	vadd.f32 v52, v52;
	v22 =	vld.idx.msk [tilespmem:v22+s19+$0x0], $0xffff;
	[tilespmem:s26+$0xFFFFFFC0] =	vst v51;
	v53 =	vsub.f32 $1.000000000e+00, v32;
	v56 =	vpop (erf);
	v55 =	vmul.f32 v46, v44  }
0x101: {  	v58 =	vmul.f32 v48, v42;
	v21 =	vld.idx.msk [tilespmem:v21+s19+$0x0], $0xffff;
	(erf) = vrcp.f32 v29;
	v57 =	vadd.f32 v56, v56  }
0x102: {  	v31 =	vsub.f32 $1.000000000e+00, v31;
	v20 =	vld.idx.msk [tilespmem:v20+s19+$0x0], $0xffff;
	[tilespmem:s26+$0xFFFFFFD0] =	vst v53;
	v59 =	vpop (erf);
	v33 =	vadd.f32 $1.000000000e+00, v55  }
0x103: {  	v27 =	vadd.f32 $1.000000000e+00, v58;
	v28 =	vsub.f32 $1.000000000e+00, v57;
	v60 =	vld.idx.msk [tilespmem:v18+s19+$0x0], $0xffff;
	v18 =	vmul.f32 v24, v25;
	v25 =	vpop (erf)  }
0x104: {  	[tilespmem:s26+$0xFFFFFFE0] =	vst v31;
	v19 =	vld.idx.msk [tilespmem:v19+s19+$0x0], $0xffff;
	v34 =	vadd.f32 v59, v59;
	(erf) = vrcp.f32 v33;
	v25 =	vadd.f32 v25, v25  }
0x105: {  	v32 =	vadd.f32 v54, v54;
	v31 =	vld.idx.msk [tilespmem:v17+s19+$0x0], $0xffff;
	v22 =	vmul.f32 v22, v23;
	(erf) = vrcp.f32 v27  }
0x106: {  	v62 =	vld.idx.msk [tilespmem:v16+s19+$0x0], $0xffff;
	[tilespmem:s28+$0x10] =	vst v28;
	v23 =	vadd.f32 $1.000000000e+00, v18;
	v24 =	vsub.f32 $1.000000000e+00, v34  }
0x107: {  	v32 =	vsub.f32 $1.000000000e+00, v32;
	v22 =	vadd.f32 $1.000000000e+00, v22;
	v17 =	vld.idx.msk [tilespmem:v8+s18+$0x0], $0xffff;
	v61 =	vpop (erf);
	(erf) = vrcp.f32 v26  }
0x108: {  	v21 =	vmul.f32 v20, v21;
	v18 =	vld.idx.msk [tilespmem:v4+s18+$0x0], $0xffff;
	[tilespmem:s28+$0x20] =	vst v24;
	v27 =	vadd.f32 v61, v61;
	v24 =	vsub.f32 $1.000000000e+00, v25;
	v25 =	vpop (erf)  }
0x109: {  	[tilespmem:s26+$0x70] =	vst v30;
	v63 =	vmul.f32 v60, v19;
	v16 =	vld.idx.msk [tilespmem:v0+s18+$0x0], $0xffff;
	(erf) = vrcp.f32 v23;
	v25 =	vadd.f32 v25, v25  }
0x10a: {  	v20 =	vld.idx.msk [tilespmem:v5+s18+$0x0], $0xffff;
	v26 =	vsub.f32 $1.000000000e+00, v27;
	v27 =	vadd.f32 $1.000000000e+00, v21;
	[tilespmem:s28+$0x0] =	vst v24;
	(erf) = vrcp.f32 v22;
	v23 =	vpop (erf)  }
0x10b: {  	[tilespmem:s26+$0x0] =	vst v32;
	v19 =	vld.idx.msk [tilespmem:v13+s18+$0x0], $0xffff;
	v24 =	vadd.f32 v23, v23;
	v22 =	vsub.f32 $1.000000000e+00, v25  }
0x10c: {  	s30 =	simm.s32 $0x8;
	s31 =	simm.s32 $0x9F40;
	s29 =	simm.s32 $0x13C80;
	[tilespmem:s28+$0x30] =	vst v26;
	v21 =	vld.idx.msk [tilespmem:v10+s18+$0x0], $0xffff;
	(erf) = vrcp.f32 v27;
	v23 =	vadd.f32 $1.000000000e+00, v63;
	v25 =	vmul.f32 v62, v31  }
.LBB2_3:
0x10d: {  	v26 =	vld [tilespmem:s31+$0x30];
	[tilespmem:s28+$0x40] =	vst v22;
	v22 =	vsub.f32 $1.000000000e+00, v24;
	s25 =	sadd.s32 $0x80, s25;
	v24 =	vpop (erf)  }
0x10e: {  	v17 =	vmul.f32 v18, v17;
	v29 =	vld [tilespmem:s25+$0x30];
	v30 =	vadd.f32 v24, v24;
	v24 =	vpop (erf);
	v25 =	vadd.f32 $1.000000000e+00, v25  }
0x10f: {  	v28 =	vld [tilespmem:s25+$0xFFFFFFC0];
	[tilespmem:s28+$0x50] =	vst v22;
	v22 =	vadd.f32 v24, v24;
	(erf) = vrcp.f32 v23  }
0x110: {  	v31 =	vadd.f32 $1.000000000e+00, v17;
	v16 =	vmul.f32 v20, v16;
	v27 =	vld [tilespmem:s31+$0xFFFFFFD0];
	v30 =	vsub.f32 $1.000000000e+00, v30;
	v18 =	vpop (erf)  }
0x111: {  	s30 =	sadd.s32 $0x8, s30;
	s26 =	sadd.s32 $0x100, s26;
	v17 =	vld [tilespmem:s25+$0xFFFFFFD0];
	v22 =	vsub.f32 $1.000000000e+00, v22;
	v24 =	vadd.f32 v18, v18;
	(erf) = vrcp.f32 v25  }
0x112: {  	p1 =	slt.u32 s30, $0x270;
	v19 =	vmul.f32 v21, v19;
	v16 =	vadd.f32 $1.000000000e+00, v16;
	v18 =	vld [tilespmem:s31+$0xFFFFFFE0];
	[tilespmem:s26+$0xFFFFFFF0] =	vst v30;
	(erf) = vrcp.f32 v31;
	v20 =	vpop (erf)  }
0x113: {  	[tilespmem:s28+$0x60] =	vst v22;
	v21 =	vld.idx.msk [tilespmem:v15+s19+$0x0], $0xffff;
	v24 =	vsub.f32 $1.000000000e+00, v24;
	v20 =	vadd.f32 v20, v20;
	v23 =	vpop (erf);
	v15 =	vmov v26  }
0x114: {  	v19 =	vadd.f32 $1.000000000e+00, v19;
	v30 =	vld.idx.msk [tilespmem:v14+s19+$0x0], $0xffff;
	(erf) = vrcp.f32 v16;
	v16 =	vadd.f32 v23, v23;
	v14 =	vmovc v29  }
0x115: {  	v31 =	vld.idx.msk [tilespmem:v26+s2+$0x0], $0xffff;
	[tilespmem:s29+$0x10] =	vst v24;
	v20 =	vsub.f32 $1.000000000e+00, v20;
	v22 =	vpop (erf)  }
0x116: {  	v29 =	vld.idx.msk [tilespmem:v29+s2+$0x0], $0xffff;
	(erf) = vrcp.f32 v19;
	v16 =	vsub.f32 $1.000000000e+00, v16;
	v22 =	vadd.f32 v22, v22  }
0x117: {  	v26 =	vld [tilespmem:s25+$0xFFFFFFE0];
	[tilespmem:s29+$0x20] =	vst v20  }
0x118: {  	v25 =	vld [tilespmem:s31+$0xFFFFFFF0];
	[tilespmem:s29+$0x30] =	vst v16;
	v20 =	vsub.f32 $1.000000000e+00, v22;
	v19 =	vpop (erf)  }
0x119: {  	v24 =	vld [tilespmem:s25+$0xFFFFFFF0];
	v19 =	vadd.f32 v19, v19  }
0x11a: {  	v21 =	vmul.f32 v30, v21;
	v23 =	vld [tilespmem:s31+$0x0];
	[tilespmem:s29+$0x40] =	vst v20;
	v16 =	vpop (erf)  }
0x11b: {  	v20 =	vld [tilespmem:s25+$0x0];
	v30 =	vpop (erf);
	v19 =	vsub.f32 $1.000000000e+00, v19;
	v16 =	vadd.f32 v16, v16  }
0x11c: {  	v29 =	vmul.f32 v29, v31;
	v34 =	vadd.f32 $1.000000000e+00, v21;
	v22 =	vld [tilespmem:s31+$0x10];
	v30 =	vadd.f32 v30, v30  }
0x11d: {  	v21 =	vld [tilespmem:s25+$0x10];
	v32 =	vpop (erf);
	[tilespmem:s29+$0x50] =	vst v19;
	v33 =	vsub.f32 $1.000000000e+00, v16  }
0x11e: {  	v29 =	vadd.f32 $1.000000000e+00, v29;
	v16 =	vld [tilespmem:s31+$0x20];
	v32 =	vadd.f32 v32, v32;
	(erf) = vrcp.f32 v34  }
0x11f: {  	v30 =	vsub.f32 $1.000000000e+00, v30;
	v19 =	vld [tilespmem:s25+$0x20];
	v31 =	vpop (erf);
	[tilespmem:s29+$0x60] =	vst v33;
	s29 =	smov.u32 s26  }
0x120: {  	v33 =	vld [tilespmem:s31+$0xFFFFFFC0];
	(erf) = vrcp.f32 v29;
	v29 =	vadd.f32 v31, v31;
	v31 =	vsub.f32 $1.000000000e+00, v32  }
0x121: {  	v32 =	vld.idx.msk [tilespmem:v28+s2+$0x0], $0xffff;
	[tilespmem:s26+$0xFFFFFF90] =	vst v30  }
0x122: {  	v30 =	vld.idx.msk [tilespmem:v27+s2+$0x0], $0xffff;
	v29 =	vsub.f32 $1.000000000e+00, v29;
	[tilespmem:s26+$0xFFFFFFA0] =	vst v31  }
0x123: {  	v31 =	vld.idx.msk [tilespmem:v17+s2+$0x0], $0xffff  }
0x124: {  	v34 =	vld.idx.msk [tilespmem:v18+s2+$0x0], $0xffff;
	[tilespmem:s26+$0xFFFFFF80] =	vst v29  }
0x125: {  	v29 =	vld.idx.msk [tilespmem:v26+s2+$0x0], $0xffff  }
0x126: {  	v35 =	vld.idx.msk [tilespmem:v25+s2+$0x0], $0xffff  }
0x127: {  	v36 =	vld.idx.msk [tilespmem:v24+s2+$0x0], $0xffff;
	v37 =	vpop (erf)  }
0x128: {  	v38 =	vld.idx.msk [tilespmem:v33+s2+$0x0], $0xffff;
	v37 =	vadd.f32 v37, v37  }
0x129: {  	v30 =	vmul.f32 v31, v30;
	v31 =	vld.idx.msk [tilespmem:v23+s2+$0x0], $0xffff;
	v39 =	vpop (erf)  }
0x12a: {  	v40 =	vld.idx.msk [tilespmem:v20+s2+$0x0], $0xffff;
	v39 =	vadd.f32 v39, v39;
	v37 =	vsub.f32 $1.000000000e+00, v37  }
0x12b: {  	v30 =	vadd.f32 $1.000000000e+00, v30;
	v29 =	vmul.f32 v29, v34;
	v34 =	vld.idx.msk [tilespmem:v22+s2+$0x0], $0xffff  }
0x12c: {  	v41 =	vld.idx.msk [tilespmem:v21+s2+$0x0], $0xffff;
	v39 =	vsub.f32 $1.000000000e+00, v39;
	[tilespmem:s26+$0x70] =	vst v37  }
0x12d: {  	s28 =	sadd.s32 $0x100, s28;
	v29 =	vadd.f32 $1.000000000e+00, v29;
	v35 =	vmul.f32 v36, v35;
	v36 =	vld.idx.msk [tilespmem:v16+s2+$0x0], $0xffff;
	(erf) = vrcp.f32 v30  }
0x12e: {  	v30 =	vmul.f32 v32, v38;
	v32 =	vld.idx.msk [tilespmem:v19+s2+$0x0], $0xffff;
	[tilespmem:s28+$0xFFFFFFF0] =	vst v39  }
0x12f: {  	v35 =	vadd.f32 $1.000000000e+00, v35;
	v37 =	vld.idx.msk [tilespmem:v15+s17+$0x0], $0xffff;
	(erf) = vrcp.f32 v29  }
0x130: {  	v29 =	vadd.f32 $1.000000000e+00, v30;
	v30 =	vmul.f32 v40, v31;
	v31 =	vld.idx.msk [tilespmem:v14+s17+$0x0], $0xffff  }
0x131: {  	(erf) = vrcp.f32 v35;
	v35 =	vld.idx.msk [tilespmem:v1+s18+$0x0], $0xffff  }
0x132: {  	v30 =	vadd.f32 $1.000000000e+00, v30;
	v34 =	vmul.f32 v41, v34;
	(erf) = vrcp.f32 v29;
	v29 =	vld.idx.msk [tilespmem:v2+s18+$0x0], $0xffff  }
0x133: {  	v38 =	vld.idx.msk [tilespmem:v3+s18+$0x0], $0xffff  }
0x134: {  	v34 =	vadd.f32 $1.000000000e+00, v34;
	v32 =	vmul.f32 v32, v36;
	(erf) = vrcp.f32 v30;
	v30 =	vld.idx.msk [tilespmem:v9+s18+$0x0], $0xffff  }
0x135: {  	v36 =	vld.idx.msk [tilespmem:v6+s18+$0x0], $0xffff  }
0x136: {  	v32 =	vadd.f32 $1.000000000e+00, v32;
	v31 =	vmul.f32 v31, v37;
	v37 =	vpop (erf);
	(erf) = vrcp.f32 v34;
	v34 =	vld.idx.msk [tilespmem:v7+s18+$0x0], $0xffff  }
0x137: {  	v37 =	vadd.f32 v37, v37;
	v39 =	vld.idx.msk [tilespmem:v12+s18+$0x0], $0xffff  }
0x138: {  	v31 =	vadd.f32 $1.000000000e+00, v31;
	v29 =	vmul.f32 v29, v35;
	v40 =	vpop (erf);
	(erf) = vrcp.f32 v32;
	v32 =	vld.idx.msk [tilespmem:v11+s18+$0x0], $0xffff  }
0x139: {  	v35 =	vsub.f32 $1.000000000e+00, v37;
	v42 =	vadd.f32 v40, v40;
	v40 =	vld.idx.msk [tilespmem:v13+s19+$0x0], $0xffff;
	v13 =	vmov v33  }
0x13a: {  	v41 =	vadd.f32 $1.000000000e+00, v29;
	v30 =	vmul.f32 v30, v38;
	v33 =	vpop (erf);
	(erf) = vrcp.f32 v31;
	v31 =	vld.idx.msk [tilespmem:v10+s19+$0x0], $0xffff  }
0x13b: {  	v10 =	vmov v28;
	[tilespmem:s28+$0xFFFFFF90] =	vst v35;
	v38 =	vsub.f32 $1.000000000e+00, v42;
	v33 =	vadd.f32 v33, v33;
	v37 =	vpop (erf);
	v29 =	vld.idx.msk [tilespmem:v8+s19+$0x0], $0xffff  }
0x13c: {  	v30 =	vadd.f32 $1.000000000e+00, v30;
	v34 =	vmul.f32 v34, v36;
	v8 =	vmovc v27;
	v28 =	vadd.f32 v37, v37;
	v37 =	vld.idx.msk [tilespmem:v27+s17+$0x0], $0xffff  }
0x13d: {  	v27 =	vld.idx.msk [tilespmem:v17+s17+$0x0], $0xffff;
	[tilespmem:s28+$0xFFFFFFA0] =	vst v38;
	v42 =	vsub.f32 $1.000000000e+00, v33;
	v35 =	vpop (erf);
	(erf) = vrcp.f32 v41  }
0x13e: {  	v32 =	vmul.f32 v32, v39;
	v28 =	vsub.f32 $1.000000000e+00, v28;
	v36 =	vld.idx.msk [tilespmem:v18+s17+$0x0], $0xffff;
	v35 =	vadd.f32 v35, v35  }
0x13f: {  	v34 =	vadd.f32 $1.000000000e+00, v34;
	v38 =	vld.idx.msk [tilespmem:v26+s17+$0x0], $0xffff;
	[tilespmem:s28+$0xFFFFFFB0] =	vst v42;
	v33 =	vpop (erf);
	(erf) = vrcp.f32 v30  }
0x140: {  	v31 =	vmul.f32 v31, v40;
	[tilespmem:s28+$0xFFFFFF80] =	vst v28;
	v28 =	vld.idx.msk [tilespmem:v25+s17+$0x0], $0xffff;
	v30 =	vsub.f32 $1.000000000e+00, v35;
	v33 =	vadd.f32 v33, v33  }
0x141: {  	v32 =	vadd.f32 $1.000000000e+00, v32;
	v35 =	vld.idx.msk [tilespmem:v13+s17+$0x0], $0xffff;
	v39 =	vpop (erf);
	(erf) = vrcp.f32 v34  }
0x142: {  	v34 =	vld.idx.msk [tilespmem:v10+s17+$0x0], $0xffff;
	[tilespmem:s28+$0xFFFFFFC0] =	vst v30;
	v30 =	vsub.f32 $1.000000000e+00, v33;
	v33 =	vadd.f32 v39, v39  }
0x143: {  	v31 =	vadd.f32 $1.000000000e+00, v31;
	v27 =	vmul.f32 v27, v37;
	v37 =	vld.idx.msk [tilespmem:v24+s17+$0x0], $0xffff;
	v39 =	vpop (erf);
	(erf) = vrcp.f32 v32  }
0x144: {  	v32 =	vld.idx.msk [tilespmem:v23+s17+$0x0], $0xffff;
	[tilespmem:s28+$0xFFFFFFD0] =	vst v30;
	v30 =	vsub.f32 $1.000000000e+00, v33;
	v39 =	vadd.f32 v39, v39  }
0x145: {  	v27 =	vadd.f32 $1.000000000e+00, v27;
	v36 =	vmul.f32 v38, v36;
	v38 =	vld.idx.msk [tilespmem:v20+s17+$0x0], $0xffff;
	(erf) = vrcp.f32 v31  }
0x146: {  	v31 =	vld.idx.msk [tilespmem:v22+s17+$0x0], $0xffff;
	[tilespmem:s28+$0xFFFFFFE0] =	vst v30;
	v40 =	vsub.f32 $1.000000000e+00, v39;
	v33 =	vpop (erf)  }
0x147: {  	v36 =	vadd.f32 $1.000000000e+00, v36;
	v39 =	vld.idx.msk [tilespmem:v21+s17+$0x0], $0xffff;
	(erf) = vrcp.f32 v27;
	v27 =	vadd.f32 v33, v33  }
0x148: {  	v33 =	vmul.f32 v34, v35;
	v34 =	vld.idx.msk [tilespmem:v16+s17+$0x0], $0xffff;
	[tilespmem:s28+$0x70] =	vst v40;
	v30 =	vpop (erf)  }
0x149: {  	v28 =	vmul.f32 v37, v28;
	v35 =	vld.idx.msk [tilespmem:v15+s18+$0x0], $0xffff;
	(erf) = vrcp.f32 v36;
	v40 =	vadd.f32 v30, v30  }
0x14a: {  	v33 =	vadd.f32 $1.000000000e+00, v33;
	v27 =	vsub.f32 $1.000000000e+00, v27;
	v36 =	vld.idx.msk [tilespmem:v14+s18+$0x0], $0xffff;
	v37 =	vpop (erf)  }
0x14b: {  	v28 =	vadd.f32 $1.000000000e+00, v28;
	v41 =	vmul.f32 v38, v32;
	v38 =	vld.idx.msk [tilespmem:v19+s17+$0x0], $0xffff;
	v37 =	vadd.f32 v37, v37  }
0x14c: {  	(erf) = vrcp.f32 v33;
	v33 =	vld.idx.msk [tilespmem:v4+s19+$0x0], $0xffff;
	[tilespmem:s26+$0xFFFFFFB0] =	vst v27;
	v27 =	vsub.f32 $1.000000000e+00, v40;
	v30 =	vpop (erf);
	v4 =	vmov v17  }
0x14d: {  	v17 =	vadd.f32 $1.000000000e+00, v41;
	v31 =	vmul.f32 v39, v31;
	(erf) = vrcp.f32 v28;
	v28 =	vld.idx.msk [tilespmem:v0+s19+$0x0], $0xffff;
	v0 =	vmovc v18  }
0x14e: {  	v30 =	vadd.f32 v30, v30;
	v18 =	vld.idx.msk [tilespmem:v5+s19+$0x0], $0xffff;
	[tilespmem:s26+$0xFFFFFFC0] =	vst v27;
	v27 =	vsub.f32 $1.000000000e+00, v37;
	v32 =	vpop (erf);
	v5 =	vmov v26  }
0x14f: {  	v26 =	vadd.f32 $1.000000000e+00, v31;
	(erf) = vrcp.f32 v17;
	v17 =	vadd.f32 v32, v32;
	v31 =	vld.idx.msk [tilespmem:v1+s19+$0x0], $0xffff;
	v1 =	vmovc v25  }
0x150: {  	v36 =	vmul.f32 v36, v35;
	v32 =	vpop (erf);
	v35 =	vld.idx.msk [tilespmem:v2+s19+$0x0], $0xffff;
	[tilespmem:s26+$0xFFFFFFD0] =	vst v27;
	v27 =	vsub.f32 $1.000000000e+00, v30;
	v2 =	vmov v24  }
0x151: {  	v30 =	vmul.f32 v38, v34;
	v24 =	vadd.f32 v32, v32;
	(erf) = vrcp.f32 v26;
	v26 =	vld.idx.msk [tilespmem:v3+s19+$0x0], $0xffff;
	v3 =	vmovc v23  }
0x152: {  	v23 =	vadd.f32 $1.000000000e+00, v36;
	v17 =	vsub.f32 $1.000000000e+00, v17;
	v29 =	vmul.f32 v33, v29;
	v25 =	vpop (erf);
	v32 =	vld.idx.msk [tilespmem:v9+s19+$0x0], $0xffff;
	[tilespmem:s26+$0xFFFFFFE0] =	vst v27  }
0x153: {  	v27 =	vadd.f32 $1.000000000e+00, v30;
	v9 =	vmovc v20;
	v25 =	vadd.f32 v25, v25;
	v30 =	vld.idx.msk [tilespmem:v6+s19+$0x0], $0xffff;
	v6 =	vmov v22  }
0x154: {  	v20 =	vsub.f32 $1.000000000e+00, v24;
	(erf) = vrcp.f32 v23;
	[tilespmem:s26+$0x0] =	vst v17;
	v17 =	vmul.f32 v18, v28;
	v22 =	vld.idx.msk [tilespmem:v7+s19+$0x0], $0xffff;
	v7 =	vmovc v21  }
0x155: {  	v23 =	vadd.f32 $1.000000000e+00, v29;
	v18 =	vsub.f32 $1.000000000e+00, v25;
	v21 =	vpop (erf);
	(erf) = vrcp.f32 v27;
	v25 =	vld.idx.msk [tilespmem:v12+s19+$0x0], $0xffff  }
0x156: {  	v24 =	vmul.f32 v35, v31;
	v29 =	vadd.f32 v21, v21;
	[tilespmem:s28+$0x10] =	vst v20;
	v12 =	vpop (erf);
	v20 =	vadd.f32 $1.000000000e+00, v17;
	v27 =	vld.idx.msk [tilespmem:v11+s19+$0x0], $0xffff  }
0x157: {  	v11 =	vmovc v19;
	v17 =	vld.idx.msk [tilespmem:v8+s18+$0x0], $0xffff;
	[tilespmem:s28+$0x20] =	vst v18;
	v31 =	vadd.f32 v12, v12;
	(erf) = vrcp.f32 v23;
	v12 =	vmov v16  }
.Ltmp3:
0x158: {  	v23 =	vadd.f32 $1.000000000e+00, v24;
	v24 =	vmul.f32 v32, v26;
	v19 =	vsub.f32 $1.000000000e+00, v29;
	v18 =	vld.idx.msk [tilespmem:v4+s18+$0x0], $0xffff;
	v21 =	vpop (erf);
	(pc) =	sbr.rel @p1 .LBB2_3-.Ltmp3, $4  }
0x159: {  	v16 =	vld.idx.msk [tilespmem:v0+s18+$0x0], $0xffff;
	v26 =	vsub.f32 $1.000000000e+00, v31;
	v21 =	vadd.f32 v21, v21;
	(erf) = vrcp.f32 v20  }
0x15a: {  	v29 =	vadd.f32 $1.000000000e+00, v24;
	v30 =	vmul.f32 v22, v30;
	[tilespmem:s28+$0x0] =	vst v19;
	v20 =	vld.idx.msk [tilespmem:v5+s18+$0x0], $0xffff;
	v28 =	vpop (erf);
	(erf) = vrcp.f32 v23  }
0x15b: {  	v19 =	vld.idx.msk [tilespmem:v13+s18+$0x0], $0xffff;
	[tilespmem:s28+$0x30] =	vst v26;
	v22 =	vsub.f32 $1.000000000e+00, v21;
	v24 =	vadd.f32 v28, v28  }
0x15c: {  	s31 =	sadd.s32 $0x80, s31;
	v23 =	vadd.f32 $1.000000000e+00, v30;
	v25 =	vmul.f32 v27, v25;
	v21 =	vld.idx.msk [tilespmem:v10+s18+$0x0], $0xffff;
	(erf) = vrcp.f32 v29  }
0x15d: {  	v26 =	vpop (erf)  }
0x15e: {  	v26 =	vadd.f32 v26, v26;
	_ =	sdelay $0x1  }
0x15f: {  	v26 =	vsub.f32 $1.000000000e+00, v26  }
0x160: {  	s25 =	sadd.s32 $0x100, s26  }
0x161: {  	v27 =	vld.idx.msk [tilespmem:v2+s18+$0x0], $0xffff;
	[tilespmem:s25+$0xFFFFFFF0] =	vst v26  }
0x162: {  	v15 =	vld.idx.msk [tilespmem:v15+s19+$0x0], $0xffff  }
0x163: {  	v17 =	vmul.f32 v18, v17;
	v63 =	vadd.f32 $1.000000000e+00, v25;
	v25 =	vpop (erf);
	(erf) = vrcp.f32 v23;
	v14 =	vld.idx.msk [tilespmem:v14+s19+$0x0], $0xffff  }
0x164: {  	v62 =	vsub.f32 $1.000000000e+00, v24;
	[tilespmem:s28+$0x40] =	vst v22;
	v16 =	vmul.f32 v20, v16;
	v20 =	vadd.f32 v25, v25;
	v26 =	vld.idx.msk [tilespmem:v1+s18+$0x0], $0xffff  }
0x165: {  	v29 =	vld.idx.msk [tilespmem:v3+s18+$0x0], $0xffff;
	v17 =	vadd.f32 $1.000000000e+00, v17  }
0x166: {  	v31 =	vld.idx.msk [tilespmem:v9+s18+$0x0], $0xffff;
	[tilespmem:s28+$0x50] =	vst v62;
	(erf) = vrcp.f32 v63;
	v30 =	vsub.f32 $1.000000000e+00, v20  }
0x167: {  	v32 =	vld.idx.msk [tilespmem:v6+s18+$0x0], $0xffff;
	v19 =	vmul.f32 v21, v19;
	v16 =	vadd.f32 $1.000000000e+00, v16;
	(erf) = vrcp.f32 v17  }
0x168: {  	v33 =	vpop (erf);
	v34 =	vld.idx.msk [tilespmem:v7+s18+$0x0], $0xffff;
	[tilespmem:s28+$0x60] =	vst v30;
	v14 =	vmul.f32 v14, v15  }
0x169: {  	v35 =	vpop (erf);
	v28 =	vadd.f32 $1.000000000e+00, v19;
	(erf) = vrcp.f32 v16;
	v36 =	vld.idx.msk [tilespmem:v12+s18+$0x0], $0xffff;
	v21 =	vmul.f32 v27, v26  }
0x16a: {  	v37 =	vpop (erf);
	v38 =	vld.idx.msk [tilespmem:v11+s18+$0x0], $0xffff;
	v14 =	vadd.f32 $1.000000000e+00, v14  }
0x16b: {  	v16 =	vmul.f32 v31, v29;
	(erf) = vrcp.f32 v28;
	v39 =	vpop (erf);
	v21 =	vadd.f32 $1.000000000e+00, v21  }
0x16c: {  	v40 =	vpop (erf);
	(erf) = vrcp.f32 v14  }
0x16d: {  	v16 =	vadd.f32 $1.000000000e+00, v16;
	v15 =	vmul.f32 v34, v32;
	(erf) = vrcp.f32 v21;
	_ =	sdelay $0x1  }
0x16e: {  	v41 =	vpop (erf);
	v23 =	vmul.f32 v38, v36;
	v15 =	vadd.f32 $1.000000000e+00, v15;
	(erf) = vrcp.f32 v16  }
0x16f: {  	v42 =	vpop (erf)  }
0x170: {  	v23 =	vadd.f32 $1.000000000e+00, v23;
	v45 =	vadd.f32 v42, v42;
	(erf) = vrcp.f32 v15  }
0x171: {  	v43 =	vpop (erf)  }
0x172: {  	v46 =	vadd.f32 v43, v43;
	v15 =	vsub.f32 $1.000000000e+00, v45;
	(erf) = vrcp.f32 v23  }
0x173: {  	v44 =	vpop (erf)  }
0x174: {  	v16 =	vadd.f32 v44, v44;
	v17 =	vsub.f32 $1.000000000e+00, v46;
	[tilespmem:s25+$0xFFFFFF90] =	vst v15;
	v47 =	vpop (erf)  }
0x175: {  	v8 =	vld.idx.msk [tilespmem:v8+s19+$0x0], $0xffff;
	v48 =	vpop (erf)  }
0x176: {  	v16 =	vsub.f32 $1.000000000e+00, v16;
	[tilespmem:s25+$0xFFFFFFA0] =	vst v17;
	v4 =	vld.idx.msk [tilespmem:v4+s19+$0x0], $0xffff;
	v49 =	vadd.f32 v48, v48  }
0x177: {  	v0 =	vld.idx.msk [tilespmem:v0+s19+$0x0], $0xffff;
	v50 =	vpop (erf)  }
0x178: {  	v5 =	vld.idx.msk [tilespmem:v5+s19+$0x0], $0xffff;
	[tilespmem:s25+$0xFFFFFF80] =	vst v16;
	v51 =	vadd.f32 v50, v50;
	v15 =	vsub.f32 $1.000000000e+00, v49  }
0x179: {  	v13 =	vld.idx.msk [tilespmem:v13+s19+$0x0], $0xffff;
	v52 =	vpop (erf)  }
0x17a: {  	v10 =	vld.idx.msk [tilespmem:v10+s19+$0x0], $0xffff;
	v21 =	vadd.f32 v52, v52;
	v53 =	vsub.f32 $1.000000000e+00, v51;
	[tilespmem:s25+$0xFFFFFFB0] =	vst v15  }
0x17b: {  	v54 =	vpop (erf);
	v55 =	vld.idx.msk [tilespmem:v1+s19+$0x0], $0xffff  }
0x17c: {  	v17 =	vadd.f32 v54, v54;
	v56 =	vsub.f32 $1.000000000e+00, v21;
	[tilespmem:s25+$0xFFFFFFC0] =	vst v53;
	v57 =	vld.idx.msk [tilespmem:v2+s19+$0x0], $0xffff  }
0x17d: {  	v58 =	vld.idx.msk [tilespmem:v3+s19+$0x0], $0xffff  }
0x17e: {  	v59 =	vsub.f32 $1.000000000e+00, v17;
	[tilespmem:s25+$0xFFFFFFD0] =	vst v56;
	v60 =	vld.idx.msk [tilespmem:v9+s19+$0x0], $0xffff  }
0x17f: {  	v61 =	vld.idx.msk [tilespmem:v6+s19+$0x0], $0xffff  }
0x180: {  	[tilespmem:s25+$0xFFFFFFE0] =	vst v59;
	v62 =	vld.idx.msk [tilespmem:v7+s19+$0x0], $0xffff  }
0x181: {  	v10 =	vmul.f32 v10, v13;
	v63 =	vld.idx.msk [tilespmem:v12+s19+$0x0], $0xffff  }
0x182: {  	v4 =	vmul.f32 v4, v8;
	v17 =	vld.idx.msk [tilespmem:v11+s19+$0x0], $0xffff  }
0x183: {  	v0 =	vmul.f32 v5, v0;
	v10 =	vadd.f32 $1.000000000e+00, v10  }
0x184: {  	v4 =	vadd.f32 $1.000000000e+00, v4;
	v1 =	vmul.f32 v57, v55  }
0x185: {  	v0 =	vadd.f32 $1.000000000e+00, v0;
	(erf) = vrcp.f32 v10;
	v21 =	vmul.f32 v60, v58  }
0x186: {  	(erf) = vrcp.f32 v4;
	v1 =	vadd.f32 $1.000000000e+00, v1;
	v23 =	vmul.f32 v62, v61  }
0x187: {  	(erf) = vrcp.f32 v0;
	v24 =	vadd.f32 $1.000000000e+00, v21;
	v26 =	vmul.f32 v17, v63  }
0x188: {  	v29 =	vadd.f32 v35, v35;
	(erf) = vrcp.f32 v1;
	v28 =	vadd.f32 $1.000000000e+00, v23  }
0x189: {  	v27 =	vadd.f32 v33, v33;
	(erf) = vrcp.f32 v24;
	v30 =	vadd.f32 $1.000000000e+00, v26  }
0x18a: {  	v33 =	vsub.f32 $1.000000000e+00, v29;
	v32 =	vadd.f32 v37, v37;
	(erf) = vrcp.f32 v28  }
0x18b: {  	v34 =	vadd.f32 v39, v39;
	v31 =	vsub.f32 $1.000000000e+00, v27;
	(erf) = vrcp.f32 v30  }
0x18c: {  	v36 =	vadd.f32 v40, v40;
	[tilespmem:s29+$0x20] =	vst v33;
	v35 =	vsub.f32 $1.000000000e+00, v32  }
0x18d: {  	v37 =	vsub.f32 $1.000000000e+00, v34;
	v38 =	vadd.f32 v41, v41;
	[tilespmem:s29+$0x10] =	vst v31  }
0x18e: {  	v40 =	vsub.f32 $1.000000000e+00, v36;
	[tilespmem:s29+$0x30] =	vst v35;
	v41 =	vadd.f32 v47, v47;
	v39 =	vpop (erf)  }
0x18f: {  	[tilespmem:s29+$0x40] =	vst v37;
	v42 =	vsub.f32 $1.000000000e+00, v38;
	v43 =	vadd.f32 v39, v39;
	v44 =	vpop (erf)  }
0x190: {  	[tilespmem:s29+$0x50] =	vst v40;
	v45 =	vsub.f32 $1.000000000e+00, v41;
	v46 =	vadd.f32 v44, v44;
	v47 =	vpop (erf)  }
0x191: {  	[tilespmem:s29+$0x60] =	vst v42;
	v48 =	vsub.f32 $1.000000000e+00, v43;
	v49 =	vadd.f32 v47, v47;
	v50 =	vpop (erf)  }
0x192: {  	[tilespmem:s25+$0x70] =	vst v45;
	v51 =	vsub.f32 $1.000000000e+00, v46;
	v52 =	vadd.f32 v50, v50;
	v53 =	vpop (erf)  }
0x193: {  	[tilespmem:s25+$0x0] =	vst v48;
	v54 =	vsub.f32 $1.000000000e+00, v49;
	v55 =	vadd.f32 v53, v53;
	v56 =	vpop (erf)  }
0x194: {  	[tilespmem:s25+$0x10] =	vst v51;
	v57 =	vsub.f32 $1.000000000e+00, v52;
	v58 =	vadd.f32 v56, v56;
	v59 =	vpop (erf)  }
0x195: {  	[tilespmem:s25+$0x20] =	vst v54;
	v60 =	vsub.f32 $1.000000000e+00, v55;
	v61 =	vadd.f32 v59, v59  }
0x196: {  	[tilespmem:s25+$0x30] =	vst v57;
	v62 =	vsub.f32 $1.000000000e+00, v58  }
0x197: {  	[tilespmem:s25+$0x40] =	vst v60;
	v63 =	vsub.f32 $1.000000000e+00, v61  }
0x198: {  	[tilespmem:s25+$0x50] =	vst v62  }
0x199: {  	[tilespmem:s25+$0x60] =	vst v63  }
0x19a: {  	[hbm4b:s13+s2] =	stream.linear.scatter [tilespmem:s22], [sflag:$0x1], $0x4F00, $0x38;
	[tilespmem:$0x18B00] =	vst v63  }
0x19b: {  	_ =	swait.ge [sflag:s16], $0x4F00  }
0x19c: {  	[sflag:s16] =	ssyncset.done $0x0  }
.Ltmp4:
0x19d: {  	[sflag:s16] =	ssyncadd.s32 $0xFFFFB100;
	(pc) =	sbr.rel .LBB2_8-.Ltmp4, $4  }
0x19e: {  	[hbm4b:s14+s2] =	stream.linear.scatter [tilespmem:s23], [sflag:$0x1], $0x4F00, $0x38;
	[tilespmem:$0x18B00] =	vst v63  }
0x19f: {  	_ =	swait.ge [sflag:s16], $0x4F00  }
0x1a0: {  	[sflag:s16] =	ssyncset.done $0x0  }
0x1a1: {  	[sflag:s16] =	ssyncadd.s32 $0xFFFFB100  }
.LBB2_5:
0x1a2: {  	[tilespmem:s20], [sflag:$0x1] =	stream.linear.gather [hbm4b:s7+s2], $0x2700, $0x38;
	[tilespmem:$0x18B00] =	vst v63  }
0x1a3: {  	_ =	swait.ge [sflag:s16], $0x2700  }
0x1a4: {  	[sflag:s16] =	ssyncset.done $0x0  }
0x1a5: {  	[sflag:s16] =	ssyncadd.s32 $0xFFFFD900  }
0x1a6: {  	[tilespmem:s21], [sflag:$0x1] =	stream.linear.gather [hbm4b:s9+s2], $0x2700, $0x38;
	[tilespmem:$0x18B00] =	vst v63  }
0x1a7: {  	_ =	swait.ge [sflag:s16], $0x2700  }
0x1a8: {  	[sflag:s16] =	ssyncset.done $0x0  }
0x1a9: {  	s25 =	simm.s32 $0x9E40;
	[sflag:s16] =	ssyncadd.s32 $0xFFFFD900  }
0x1aa: {  	s26 =	simm.s32 $0xC5C0;
	v1 =	vld [tilespmem:s25+$0x30]  }
0x1ab: {  	v2 =	vld [tilespmem:s26+$0x30];
	_ =	sdelay $0x2  }
0x1ac: {  	v28 =	vld [tilespmem:s26+$0xFFFFFFC0]  }
0x1ad: {  	v27 =	vld [tilespmem:s25+$0xFFFFFFD0]  }
0x1ae: {  	v26 =	vld [tilespmem:s26+$0xFFFFFFD0]  }
0x1af: {  	v25 =	vld [tilespmem:s25+$0xFFFFFFE0]  }
0x1b0: {  	v0 =	vld.idx.msk [tilespmem:v1+s2+$0x0], $0xffff  }
0x1b1: {  	v3 =	vld.idx.msk [tilespmem:v2+s2+$0x0], $0xffff  }
0x1b2: {  	v24 =	vld [tilespmem:s26+$0xFFFFFFE0]  }
0x1b3: {  	v23 =	vld [tilespmem:s25+$0xFFFFFFF0]  }
0x1b4: {  	v22 =	vld [tilespmem:s26+$0xFFFFFFF0]  }
0x1b5: {  	v21 =	vld [tilespmem:s25+$0x0]  }
0x1b6: {  	v20 =	vld [tilespmem:s26+$0x0];
	v0 =	vmul.f32 v3, v0  }
0x1b7: {  	v19 =	vld [tilespmem:s25+$0x10]  }
0x1b8: {  	v18 =	vld [tilespmem:s26+$0x10];
	v0 =	vadd.f32 $1.000000000e+00, v0  }
0x1b9: {  	v17 =	vld [tilespmem:s25+$0x20]  }
0x1ba: {  	v29 =	vld [tilespmem:s25+$0xFFFFFFC0];
	(erf) = vrcp.f32 v0  }
0x1bb: {  	v16 =	vld [tilespmem:s26+$0x20]  }
0x1bc: {  	v4 =	vld.idx.msk [tilespmem:v26+s2+$0x0], $0xffff  }
0x1bd: {  	v5 =	vld.idx.msk [tilespmem:v25+s2+$0x0], $0xffff  }
0x1be: {  	v6 =	vld.idx.msk [tilespmem:v24+s2+$0x0], $0xffff  }
0x1bf: {  	v3 =	vld.idx.msk [tilespmem:v27+s2+$0x0], $0xffff  }
0x1c0: {  	v7 =	vld.idx.msk [tilespmem:v23+s2+$0x0], $0xffff  }
0x1c1: {  	v8 =	vld.idx.msk [tilespmem:v22+s2+$0x0], $0xffff  }
0x1c2: {  	v9 =	vld.idx.msk [tilespmem:v29+s2+$0x0], $0xffff  }
0x1c3: {  	v0 =	vld.idx.msk [tilespmem:v28+s2+$0x0], $0xffff;
	v10 =	vpop (erf)  }
0x1c4: {  	v11 =	vld.idx.msk [tilespmem:v20+s2+$0x0], $0xffff;
	v3 =	vmul.f32 v4, v3;
	v10 =	vadd.f32 v10, v10  }
0x1c5: {  	v12 =	vld.idx.msk [tilespmem:v18+s2+$0x0], $0xffff  }
0x1c6: {  	v5 =	vmul.f32 v6, v5;
	v4 =	vld.idx.msk [tilespmem:v21+s2+$0x0], $0xffff;
	v3 =	vadd.f32 $1.000000000e+00, v3;
	v10 =	vsub.f32 $1.000000000e+00, v10  }
0x1c7: {  	s29 =	simm.s32 $0xED80;
	v6 =	vld.idx.msk [tilespmem:v19+s2+$0x0], $0xffff;
	v7 =	vmul.f32 v8, v7  }
0x1c8: {  	v8 =	vld.idx.msk [tilespmem:v17+s2+$0x0], $0xffff;
	v5 =	vadd.f32 $1.000000000e+00, v5;
	(erf) = vrcp.f32 v3;
	v0 =	vmul.f32 v0, v9;
	[tilespmem:s29+$0xFFFFFFF0] =	vst v10  }
0x1c9: {  	v7 =	vadd.f32 $1.000000000e+00, v7;
	v9 =	vld.idx.msk [tilespmem:v1+s17+$0x0], $0xffff  }
0x1ca: {  	(erf) = vrcp.f32 v5;
	v0 =	vadd.f32 $1.000000000e+00, v0;
	v5 =	vld.idx.msk [tilespmem:v2+s17+$0x0], $0xffff  }
0x1cb: {  	v3 =	vld.idx.msk [tilespmem:v16+s2+$0x0], $0xffff;
	v4 =	vmul.f32 v11, v4;
	(erf) = vrcp.f32 v7  }
0x1cc: {  	(erf) = vrcp.f32 v0  }
0x1cd: {  	v0 =	vadd.f32 $1.000000000e+00, v4  }
0x1ce: {  	v4 =	vmul.f32 v12, v6  }
0x1cf: {  	(erf) = vrcp.f32 v0;
	v0 =	vmul.f32 v5, v9  }
0x1d0: {  	v3 =	vmul.f32 v3, v8;
	v4 =	vadd.f32 $1.000000000e+00, v4  }
0x1d1: {  	v5 =	vpop (erf);
	v0 =	vadd.f32 $1.000000000e+00, v0  }
0x1d2: {  	v3 =	vadd.f32 $1.000000000e+00, v3;
	(erf) = vrcp.f32 v4;
	v4 =	vadd.f32 v5, v5  }
0x1d3: {  	v5 =	vpop (erf)  }
0x1d4: {  	(erf) = vrcp.f32 v3;
	v3 =	vsub.f32 $1.000000000e+00, v4;
	v4 =	vadd.f32 v5, v5;
	v5 =	vpop (erf)  }
0x1d5: {  	(erf) = vrcp.f32 v0;
	v0 =	vpop (erf)  }
0x1d6: {  	v0 =	vadd.f32 v0, v0  }
0x1d7: {  	[tilespmem:s29+$0xFFFFFF90] =	vst v3;
	v3 =	vsub.f32 $1.000000000e+00, v4  }
0x1d8: {  	v5 =	vadd.f32 v5, v5;
	v0 =	vsub.f32 $1.000000000e+00, v0  }
0x1d9: {  	v4 =	vld.idx.msk [tilespmem:v27+s17+$0x0], $0xffff  }
0x1da: {  	v6 =	vld.idx.msk [tilespmem:v26+s17+$0x0], $0xffff;
	v5 =	vsub.f32 $1.000000000e+00, v5;
	[tilespmem:s29+$0xFFFFFFA0] =	vst v3  }
0x1db: {  	v7 =	vld.idx.msk [tilespmem:v25+s17+$0x0], $0xffff;
	v3 =	vpop (erf)  }
0x1dc: {  	v8 =	vld.idx.msk [tilespmem:v24+s17+$0x0], $0xffff;
	v3 =	vadd.f32 v3, v3;
	[tilespmem:s29+$0xFFFFFF80] =	vst v0;
	v0 =	vpop (erf)  }
0x1dd: {  	v9 =	vld.idx.msk [tilespmem:v29+s17+$0x0], $0xffff;
	v0 =	vadd.f32 v0, v0  }
0x1de: {  	[tilespmem:s29+$0xFFFFFFB0] =	vst v5;
	v3 =	vsub.f32 $1.000000000e+00, v3;
	v10 =	vld.idx.msk [tilespmem:v28+s17+$0x0], $0xffff;
	v5 =	vpop (erf)  }
0x1df: {  	v11 =	vld.idx.msk [tilespmem:v23+s17+$0x0], $0xffff;
	v4 =	vmul.f32 v6, v4;
	v6 =	vpop (erf);
	v0 =	vsub.f32 $1.000000000e+00, v0  }
0x1e0: {  	[tilespmem:s29+$0xFFFFFFC0] =	vst v3;
	v3 =	vld.idx.msk [tilespmem:v22+s17+$0x0], $0xffff;
	v6 =	vadd.f32 v6, v6  }
0x1e1: {  	v4 =	vadd.f32 $1.000000000e+00, v4;
	v12 =	vld.idx.msk [tilespmem:v21+s17+$0x0], $0xffff;
	[tilespmem:s29+$0xFFFFFFD0] =	vst v0  }
0x1e2: {  	v7 =	vmul.f32 v8, v7;
	v6 =	vsub.f32 $1.000000000e+00, v6;
	v8 =	vld.idx.msk [tilespmem:v19+s17+$0x0], $0xffff  }
0x1e3: {  	(erf) = vrcp.f32 v4;
	v4 =	vmul.f32 v10, v9;
	v9 =	vld.idx.msk [tilespmem:v18+s17+$0x0], $0xffff  }
0x1e4: {  	v7 =	vadd.f32 $1.000000000e+00, v7;
	v0 =	vld.idx.msk [tilespmem:v20+s17+$0x0], $0xffff;
	[tilespmem:s29+$0x70] =	vst v6  }
0x1e5: {  	v4 =	vadd.f32 $1.000000000e+00, v4;
	v6 =	vld.idx.msk [tilespmem:v1+s18+$0x0], $0xffff  }
0x1e6: {  	(erf) = vrcp.f32 v7;
	v3 =	vmul.f32 v3, v11;
	v7 =	vld.idx.msk [tilespmem:v2+s18+$0x0], $0xffff  }
0x1e7: {  	(erf) = vrcp.f32 v4  }
0x1e8: {  	s28 =	simm.s32 $0x9EC0;
	v4 =	vadd.f32 v5, v5;
	v3 =	vadd.f32 $1.000000000e+00, v3;
	v5 =	vmul.f32 v9, v8  }
0x1e9: {  	v15 =	vld [tilespmem:s28+$0x30];
	s25 =	simm.s32 $0xC640;
	v0 =	vmul.f32 v0, v12  }
0x1ea: {  	v14 =	vld [tilespmem:s25+$0x30];
	(erf) = vrcp.f32 v3  }
0x1eb: {  	v10 =	vld [tilespmem:s25+$0xFFFFFFC0];
	v0 =	vadd.f32 $1.000000000e+00, v0;
	v6 =	vmul.f32 v7, v6;
	v3 =	vadd.f32 $1.000000000e+00, v5  }
0x1ec: {  	v4 =	vsub.f32 $1.000000000e+00, v4;
	v5 =	vpop (erf)  }
0x1ed: {  	(erf) = vrcp.f32 v0;
	v0 =	vadd.f32 v5, v5;
	v5 =	vadd.f32 $1.000000000e+00, v6  }
0x1ee: {  	v8 =	vld [tilespmem:s28+$0xFFFFFFD0];
	(erf) = vrcp.f32 v3  }
0x1ef: {  	v3 =	vpop (erf);
	(erf) = vrcp.f32 v5;
	_ =	sdelay $0x1  }
0x1f0: {  	v35 =	vld.idx.msk [tilespmem:v15+s2+$0x0], $0xffff;
	[tilespmem:s29+$0xFFFFFFE0] =	vst v4;
	v4 =	vpop (erf)  }
0x1f1: {  	v36 =	vld.idx.msk [tilespmem:v14+s2+$0x0], $0xffff;
	v0 =	vsub.f32 $1.000000000e+00, v0;
	v4 =	vadd.f32 v4, v4  }
0x1f2: {  	v50 =	vld.idx.msk [tilespmem:v10+s2+$0x0], $0xffff  }
0x1f3: {  	v6 =	vld.idx.msk [tilespmem:v16+s17+$0x0], $0xffff;
	[tilespmem:s29+$0x10] =	vst v0;
	v0 =	vsub.f32 $1.000000000e+00, v4  }
0x1f4: {  	v3 =	vadd.f32 v3, v3;
	v5 =	vld.idx.msk [tilespmem:v17+s17+$0x0], $0xffff;
	v32 =	vpop (erf)  }
0x1f5: {  	v51 =	vld.idx.msk [tilespmem:v8+s2+$0x0], $0xffff;
	v33 =	vpop (erf)  }
0x1f6: {  	v3 =	vsub.f32 $1.000000000e+00, v3;
	v7 =	vld.idx.msk [tilespmem:v27+s18+$0x0], $0xffff;
	v34 =	vpop (erf)  }
0x1f7: {  	v4 =	vld [tilespmem:s25+$0xFFFFFFD0];
	[tilespmem:s29+$0x0] =	vst v0;
	v0 =	vpop (erf)  }
0x1f8: {  	[tilespmem:s29+$0x20] =	vst v3;
	v3 =	vld.idx.msk [tilespmem:v26+s18+$0x0], $0xffff;
	v0 =	vadd.f32 v0, v0  }
0x1f9: {  	v9 =	vld.idx.msk [tilespmem:v25+s18+$0x0], $0xffff  }
0x1fa: {  	v11 =	vld.idx.msk [tilespmem:v24+s18+$0x0], $0xffff;
	v30 =	vsub.f32 $1.000000000e+00, v0  }
0x1fb: {  	s26 =	simm.s32 $0x13C80;
	v12 =	vld.idx.msk [tilespmem:v29+s18+$0x0], $0xffff  }
0x1fc: {  	v13 =	vld.idx.msk [tilespmem:v28+s18+$0x0], $0xffff;
	[tilespmem:s26+$0xFFFFFFF0] =	vst v30  }
0x1fd: {  	v30 =	vld.idx.msk [tilespmem:v1+s19+$0x0], $0xffff  }
0x1fe: {  	v3 =	vmul.f32 v3, v7;
	v31 =	vld.idx.msk [tilespmem:v2+s19+$0x0], $0xffff  }
0x1ff: {  	v7 =	vmul.f32 v11, v9;
	v9 =	vld [tilespmem:s25+$0x0];
	v2 =	vmul.f32 v6, v5  }
0x200: {  	v11 =	vadd.f32 $1.000000000e+00, v3;
	v3 =	vld [tilespmem:s28+$0x0]  }
0x201: {  	v0 =	vld [tilespmem:s28+$0xFFFFFFE0];
	v6 =	vadd.f32 $1.000000000e+00, v2  }
0x202: {  	v12 =	vmul.f32 v13, v12;
	v37 =	vld.idx.msk [tilespmem:v4+s2+$0x0], $0xffff  }
0x203: {  	v7 =	vadd.f32 $1.000000000e+00, v7;
	v5 =	vld [tilespmem:s25+$0xFFFFFFE0];
	(erf) = vrcp.f32 v6;
	v13 =	vmul.f32 v31, v30  }
0x204: {  	v1 =	vld [tilespmem:s28+$0xFFFFFFF0];
	(erf) = vrcp.f32 v11;
	v11 =	vadd.f32 $1.000000000e+00, v12  }
0x205: {  	v49 =	vmul.f32 v36, v35;
	v2 =	vld [tilespmem:s25+$0xFFFFFFF0];
	(erf) = vrcp.f32 v7;
	v13 =	vadd.f32 $1.000000000e+00, v13  }
0x206: {  	v6 =	vld [tilespmem:s28+$0x10];
	(erf) = vrcp.f32 v11  }
0x207: {  	v30 =	vadd.f32 $1.000000000e+00, v49;
	(erf) = vrcp.f32 v13;
	v13 =	vld [tilespmem:s28+$0xFFFFFFC0]  }
0x208: {  	v12 =	vld [tilespmem:s28+$0x20]  }
0x209: {  	v39 =	vld.idx.msk [tilespmem:v0+s2+$0x0], $0xffff;
	(erf) = vrcp.f32 v30  }
0x20a: {  	v7 =	vld [tilespmem:s25+$0x10]  }
0x20b: {  	v32 =	vadd.f32 v32, v32;
	v11 =	vld [tilespmem:s25+$0x20]  }
0x20c: {  	v33 =	vadd.f32 v33, v33;
	v41 =	vld.idx.msk [tilespmem:v5+s2+$0x0], $0xffff  }
0x20d: {  	v32 =	vsub.f32 $1.000000000e+00, v32;
	v42 =	vld.idx.msk [tilespmem:v1+s2+$0x0], $0xffff;
	v38 =	vpop (erf)  }
0x20e: {  	v33 =	vsub.f32 $1.000000000e+00, v33;
	v36 =	vmul.f32 v37, v51;
	v44 =	vld.idx.msk [tilespmem:v2+s2+$0x0], $0xffff;
	v40 =	vpop (erf)  }
0x20f: {  	[tilespmem:s29+$0x30] =	vst v32;
	v31 =	vpop (erf);
	v45 =	vld.idx.msk [tilespmem:v13+s2+$0x0], $0xffff  }
0x210: {  	v58 =	vadd.f32 v34, v34;
	v34 =	vld.idx.msk [tilespmem:v22+s18+$0x0], $0xffff;
	[tilespmem:s29+$0x40] =	vst v33;
	v36 =	vadd.f32 $1.000000000e+00, v36;
	v43 =	vpop (erf)  }
0x211: {  	v63 =	vld.idx.msk [tilespmem:v21+s18+$0x0], $0xffff;
	v30 =	vpop (erf)  }
0x212: {  	v47 =	vld.idx.msk [tilespmem:v9+s2+$0x0], $0xffff;
	v39 =	vmul.f32 v41, v39;
	(erf) = vrcp.f32 v36;
	v46 =	vpop (erf)  }
0x213: {  	v52 =	vld.idx.msk [tilespmem:v3+s2+$0x0], $0xffff;
	v42 =	vmul.f32 v44, v42;
	v46 =	vadd.f32 v46, v46  }
0x214: {  	v53 =	vld.idx.msk [tilespmem:v6+s2+$0x0], $0xffff;
	v39 =	vadd.f32 $1.000000000e+00, v39;
	v35 =	vmul.f32 v50, v45  }
0x215: {  	v55 =	vld.idx.msk [tilespmem:v12+s2+$0x0], $0xffff;
	v42 =	vadd.f32 $1.000000000e+00, v42;
	v46 =	vsub.f32 $1.000000000e+00, v46  }
0x216: {  	s28 =	simm.s32 $0xEE80;
	v54 =	vld.idx.msk [tilespmem:v7+s2+$0x0], $0xffff;
	(erf) = vrcp.f32 v39;
	v59 =	vadd.f32 $1.000000000e+00, v35  }
0x217: {  	v56 =	vld.idx.msk [tilespmem:v11+s2+$0x0], $0xffff;
	(erf) = vrcp.f32 v42;
	[tilespmem:s28+$0xFFFFFFF0] =	vst v46  }
0x218: {  	v32 =	vsub.f32 $1.000000000e+00, v58;
	v37 =	vmul.f32 v47, v52;
	v57 =	vld.idx.msk [tilespmem:v15+s17+$0x0], $0xffff;
	(erf) = vrcp.f32 v59  }
0x219: {  	v47 =	vadd.f32 v43, v43;
	v60 =	vld.idx.msk [tilespmem:v14+s17+$0x0], $0xffff  }
0x21a: {  	[tilespmem:s29+$0x50] =	vst v32;
	v48 =	vld.idx.msk [tilespmem:v20+s18+$0x0], $0xffff;
	v37 =	vadd.f32 $1.000000000e+00, v37  }
0x21b: {  	v49 =	vld.idx.msk [tilespmem:v19+s18+$0x0], $0xffff;
	v61 =	vadd.f32 v38, v38;
	v62 =	vmul.f32 v54, v53;
	v33 =	vsub.f32 $1.000000000e+00, v47;
	v51 =	vpop (erf)  }
0x21c: {  	v52 =	vld.idx.msk [tilespmem:v18+s18+$0x0], $0xffff;
	v36 =	vmul.f32 v56, v55;
	v53 =	vadd.f32 v51, v51  }
0x21d: {  	v42 =	vld.idx.msk [tilespmem:v23+s18+$0x0], $0xffff;
	v38 =	vadd.f32 $1.000000000e+00, v62;
	[tilespmem:s26+$0xFFFFFF80] =	vst v33;
	v46 =	vsub.f32 $1.000000000e+00, v61;
	(erf) = vrcp.f32 v37  }
0x21e: {  	v29 =	vld.idx.msk [tilespmem:v29+s19+$0x0], $0xffff;
	v58 =	vsub.f32 $1.000000000e+00, v53;
	v35 =	vmul.f32 v60, v57  }
0x21f: {  	v50 =	vadd.f32 v40, v40;
	v36 =	vadd.f32 $1.000000000e+00, v36;
	v28 =	vld.idx.msk [tilespmem:v28+s19+$0x0], $0xffff;
	[tilespmem:s29+$0x60] =	vst v46;
	(erf) = vrcp.f32 v38;
	v56 =	vpop (erf)  }
0x220: {  	v54 =	vld.idx.msk [tilespmem:v17+s18+$0x0], $0xffff;
	[tilespmem:s28+$0xFFFFFF90] =	vst v58;
	v59 =	vpop (erf);
	v55 =	vadd.f32 $1.000000000e+00, v35;
	v35 =	vadd.f32 v56, v56  }
0x221: {  	v62 =	vmul.f32 v48, v63;
	v32 =	vsub.f32 $1.000000000e+00, v50;
	(erf) = vrcp.f32 v36;
	v36 =	vld.idx.msk [tilespmem:v8+s17+$0x0], $0xffff;
	v61 =	vpop (erf)  }
0x222: {  	v63 =	vld.idx.msk [tilespmem:v4+s17+$0x0], $0xffff;
	(erf) = vrcp.f32 v55;
	v60 =	vsub.f32 $1.000000000e+00, v35;
	v35 =	vadd.f32 v61, v61  }
0x223: {  	v34 =	vmul.f32 v34, v42;
	[tilespmem:s26+$0xFFFFFF90] =	vst v32;
	v57 =	vld.idx.msk [tilespmem:v16+s18+$0x0], $0xffff  }
0x224: {  	v46 =	vmul.f32 v52, v49;
	v27 =	vld.idx.msk [tilespmem:v27+s19+$0x0], $0xffff;
	v32 =	vadd.f32 v59, v59;
	[tilespmem:s28+$0xFFFFFFA0] =	vst v60;
	v35 =	vsub.f32 $1.000000000e+00, v35  }
0x225: {  	v45 =	vadd.f32 $1.000000000e+00, v34;
	v38 =	vadd.f32 $1.000000000e+00, v62;
	v48 =	vld.idx.msk [tilespmem:v0+s17+$0x0], $0xffff  }
0x226: {  	v28 =	vmul.f32 v28, v29;
	v34 =	vadd.f32 $1.000000000e+00, v46;
	v32 =	vsub.f32 $1.000000000e+00, v32;
	v47 =	vpop (erf);
	v49 =	vld.idx.msk [tilespmem:v5+s17+$0x0], $0xffff;
	[tilespmem:s28+$0xFFFFFF80] =	vst v35  }
0x227: {  	v36 =	vmul.f32 v63, v36;
	(erf) = vrcp.f32 v45;
	v37 =	vadd.f32 v47, v47;
	v53 =	vld.idx.msk [tilespmem:v13+s17+$0x0], $0xffff  }
0x228: {  	v28 =	vadd.f32 $1.000000000e+00, v28;
	v50 =	vmul.f32 v57, v54;
	v51 =	vpop (erf);
	(erf) = vrcp.f32 v38;
	v55 =	vld.idx.msk [tilespmem:v10+s17+$0x0], $0xffff  }
0x229: {  	v26 =	vld.idx.msk [tilespmem:v26+s19+$0x0], $0xffff;
	[tilespmem:s28+$0xFFFFFFB0] =	vst v32;
	v39 =	vadd.f32 v51, v51;
	v37 =	vsub.f32 $1.000000000e+00, v37  }
0x22a: {  	v52 =	vld.idx.msk [tilespmem:v1+s17+$0x0], $0xffff;
	v36 =	vadd.f32 $1.000000000e+00, v36;
	v33 =	vadd.f32 $1.000000000e+00, v50;
	v54 =	vpop (erf)  }
0x22b: {  	v57 =	vld.idx.msk [tilespmem:v2+s17+$0x0], $0xffff;
	(erf) = vrcp.f32 v34;
	v29 =	vadd.f32 v54, v54;
	v56 =	vsub.f32 $1.000000000e+00, v39;
	[tilespmem:s28+$0xFFFFFFC0] =	vst v37;
	v58 =	vpop (erf)  }
0x22c: {  	(erf) = vrcp.f32 v33;
	v59 =	vld.idx.msk [tilespmem:v3+s17+$0x0], $0xffff;
	v32 =	vmul.f32 v49, v48;
	v39 =	vadd.f32 v58, v58  }
0x22d: {  	(erf) = vrcp.f32 v28;
	v29 =	vsub.f32 $1.000000000e+00, v29;
	[tilespmem:s28+$0xFFFFFFD0] =	vst v56;
	v60 =	vld.idx.msk [tilespmem:v9+s17+$0x0], $0xffff;
	v41 =	vmul.f32 v55, v53  }
0x22e: {  	v61 =	vld.idx.msk [tilespmem:v6+s17+$0x0], $0xffff;
	(erf) = vrcp.f32 v36;
	v62 =	vadd.f32 $1.000000000e+00, v32;
	v39 =	vsub.f32 $1.000000000e+00, v39  }
0x22f: {  	v31 =	vadd.f32 v31, v31;
	[tilespmem:s28+$0xFFFFFFE0] =	vst v29;
	v63 =	vld.idx.msk [tilespmem:v7+s17+$0x0], $0xffff;
	v32 =	vadd.f32 $1.000000000e+00, v41  }
0x230: {  	v30 =	vadd.f32 v30, v30;
	v35 =	vmul.f32 v57, v52;
	v42 =	vld.idx.msk [tilespmem:v12+s17+$0x0], $0xffff;
	v43 =	vpop (erf);
	(erf) = vrcp.f32 v62;
	[tilespmem:s28+$0x70] =	vst v39  }
0x231: {  	v31 =	vsub.f32 $1.000000000e+00, v31;
	v45 =	vadd.f32 v43, v43;
	v47 =	vpop (erf);
	v44 =	vld.idx.msk [tilespmem:v15+s18+$0x0], $0xffff;
	(erf) = vrcp.f32 v32  }
0x232: {  	v30 =	vsub.f32 $1.000000000e+00, v30;
	v35 =	vadd.f32 $1.000000000e+00, v35;
	v33 =	vmul.f32 v60, v59;
	v46 =	vld.idx.msk [tilespmem:v14+s18+$0x0], $0xffff  }
0x233: {  	[tilespmem:s26+$0xFFFFFFA0] =	vst v31;
	v48 =	vld.idx.msk [tilespmem:v11+s17+$0x0], $0xffff;
	v49 =	vadd.f32 v47, v47;
	v28 =	vsub.f32 $1.000000000e+00, v45  }
0x234: {  	v25 =	vld.idx.msk [tilespmem:v25+s19+$0x0], $0xffff;
	v26 =	vmul.f32 v26, v27;
	v50 =	vpop (erf);
	v29 =	vmul.f32 v63, v61;
	v33 =	vadd.f32 $1.000000000e+00, v33  }
0x235: {  	v24 =	vld.idx.msk [tilespmem:v24+s19+$0x0], $0xffff;
	v52 =	vpop (erf);
	[tilespmem:s26+$0xFFFFFFB0] =	vst v28;
	v51 =	vsub.f32 $1.000000000e+00, v49;
	v32 =	vadd.f32 v50, v50;
	(erf) = vrcp.f32 v35  }
0x236: {  	v26 =	vadd.f32 $1.000000000e+00, v26;
	v54 =	vpop (erf);
	v29 =	vadd.f32 $1.000000000e+00, v29;
	v23 =	vld.idx.msk [tilespmem:v23+s19+$0x0], $0xffff;
	(erf) = vrcp.f32 v33  }
0x237: {  	v31 =	vadd.f32 v52, v52;
	v22 =	vld.idx.msk [tilespmem:v22+s19+$0x0], $0xffff;
	[tilespmem:s26+$0xFFFFFFC0] =	vst v51;
	v53 =	vsub.f32 $1.000000000e+00, v32;
	v56 =	vpop (erf);
	v55 =	vmul.f32 v46, v44  }
0x238: {  	v58 =	vmul.f32 v48, v42;
	v21 =	vld.idx.msk [tilespmem:v21+s19+$0x0], $0xffff;
	(erf) = vrcp.f32 v29;
	v57 =	vadd.f32 v56, v56  }
0x239: {  	v31 =	vsub.f32 $1.000000000e+00, v31;
	v20 =	vld.idx.msk [tilespmem:v20+s19+$0x0], $0xffff;
	[tilespmem:s26+$0xFFFFFFD0] =	vst v53;
	v59 =	vpop (erf);
	v33 =	vadd.f32 $1.000000000e+00, v55  }
0x23a: {  	v27 =	vadd.f32 $1.000000000e+00, v58;
	v28 =	vsub.f32 $1.000000000e+00, v57;
	v60 =	vld.idx.msk [tilespmem:v18+s19+$0x0], $0xffff;
	v18 =	vmul.f32 v24, v25;
	v25 =	vpop (erf)  }
0x23b: {  	[tilespmem:s26+$0xFFFFFFE0] =	vst v31;
	v19 =	vld.idx.msk [tilespmem:v19+s19+$0x0], $0xffff;
	v34 =	vadd.f32 v59, v59;
	(erf) = vrcp.f32 v33;
	v25 =	vadd.f32 v25, v25  }
0x23c: {  	v32 =	vadd.f32 v54, v54;
	v31 =	vld.idx.msk [tilespmem:v17+s19+$0x0], $0xffff;
	v22 =	vmul.f32 v22, v23;
	(erf) = vrcp.f32 v27  }
0x23d: {  	v62 =	vld.idx.msk [tilespmem:v16+s19+$0x0], $0xffff;
	[tilespmem:s28+$0x10] =	vst v28;
	v23 =	vadd.f32 $1.000000000e+00, v18;
	v24 =	vsub.f32 $1.000000000e+00, v34  }
0x23e: {  	v32 =	vsub.f32 $1.000000000e+00, v32;
	v22 =	vadd.f32 $1.000000000e+00, v22;
	v17 =	vld.idx.msk [tilespmem:v8+s18+$0x0], $0xffff;
	v61 =	vpop (erf);
	(erf) = vrcp.f32 v26  }
0x23f: {  	v21 =	vmul.f32 v20, v21;
	v18 =	vld.idx.msk [tilespmem:v4+s18+$0x0], $0xffff;
	[tilespmem:s28+$0x20] =	vst v24;
	v27 =	vadd.f32 v61, v61;
	v24 =	vsub.f32 $1.000000000e+00, v25;
	v25 =	vpop (erf)  }
0x240: {  	[tilespmem:s26+$0x70] =	vst v30;
	v63 =	vmul.f32 v60, v19;
	v16 =	vld.idx.msk [tilespmem:v0+s18+$0x0], $0xffff;
	(erf) = vrcp.f32 v23;
	v25 =	vadd.f32 v25, v25  }
0x241: {  	v20 =	vld.idx.msk [tilespmem:v5+s18+$0x0], $0xffff;
	v26 =	vsub.f32 $1.000000000e+00, v27;
	v27 =	vadd.f32 $1.000000000e+00, v21;
	[tilespmem:s28+$0x0] =	vst v24;
	(erf) = vrcp.f32 v22;
	v23 =	vpop (erf)  }
0x242: {  	[tilespmem:s26+$0x0] =	vst v32;
	v19 =	vld.idx.msk [tilespmem:v13+s18+$0x0], $0xffff;
	v24 =	vadd.f32 v23, v23;
	v22 =	vsub.f32 $1.000000000e+00, v25  }
0x243: {  	s30 =	simm.s32 $0x8;
	s31 =	simm.s32 $0x9F40;
	s29 =	simm.s32 $0x13C80;
	[tilespmem:s28+$0x30] =	vst v26;
	v21 =	vld.idx.msk [tilespmem:v10+s18+$0x0], $0xffff;
	(erf) = vrcp.f32 v27;
	v23 =	vadd.f32 $1.000000000e+00, v63;
	v25 =	vmul.f32 v62, v31  }
.LBB2_6:
0x244: {  	v26 =	vld [tilespmem:s31+$0x30];
	[tilespmem:s28+$0x40] =	vst v22;
	v22 =	vsub.f32 $1.000000000e+00, v24;
	s25 =	sadd.s32 $0x80, s25;
	v24 =	vpop (erf)  }
0x245: {  	v17 =	vmul.f32 v18, v17;
	v25 =	vadd.f32 $1.000000000e+00, v25;
	v29 =	vld [tilespmem:s25+$0x30];
	v30 =	vadd.f32 v24, v24;
	v24 =	vpop (erf)  }
0x246: {  	v28 =	vld [tilespmem:s25+$0xFFFFFFC0];
	[tilespmem:s28+$0x50] =	vst v22;
	v22 =	vadd.f32 v24, v24;
	(erf) = vrcp.f32 v23  }
0x247: {  	v16 =	vmul.f32 v20, v16;
	v31 =	vadd.f32 $1.000000000e+00, v17;
	v27 =	vld [tilespmem:s31+$0xFFFFFFD0];
	v30 =	vsub.f32 $1.000000000e+00, v30;
	v18 =	vpop (erf)  }
0x248: {  	s30 =	sadd.s32 $0x8, s30;
	s26 =	sadd.s32 $0x100, s26;
	v17 =	vld [tilespmem:s25+$0xFFFFFFD0];
	v22 =	vsub.f32 $1.000000000e+00, v22;
	v24 =	vadd.f32 v18, v18;
	(erf) = vrcp.f32 v25  }
0x249: {  	v19 =	vmul.f32 v21, v19;
	p1 =	slt.u32 s30, $0x268;
	v16 =	vadd.f32 $1.000000000e+00, v16;
	v18 =	vld [tilespmem:s31+$0xFFFFFFE0];
	[tilespmem:s26+$0xFFFFFFF0] =	vst v30;
	(erf) = vrcp.f32 v31;
	v20 =	vpop (erf)  }
0x24a: {  	[tilespmem:s28+$0x60] =	vst v22;
	v21 =	vld.idx.msk [tilespmem:v15+s19+$0x0], $0xffff;
	v24 =	vsub.f32 $1.000000000e+00, v24;
	v20 =	vadd.f32 v20, v20;
	v23 =	vpop (erf);
	v15 =	vmov v26  }
0x24b: {  	v19 =	vadd.f32 $1.000000000e+00, v19;
	v30 =	vld.idx.msk [tilespmem:v14+s19+$0x0], $0xffff;
	(erf) = vrcp.f32 v16;
	v16 =	vadd.f32 v23, v23;
	v14 =	vmovc v29  }
0x24c: {  	v31 =	vld.idx.msk [tilespmem:v26+s2+$0x0], $0xffff;
	[tilespmem:s29+$0x10] =	vst v24;
	v20 =	vsub.f32 $1.000000000e+00, v20;
	v22 =	vpop (erf)  }
0x24d: {  	v29 =	vld.idx.msk [tilespmem:v29+s2+$0x0], $0xffff;
	(erf) = vrcp.f32 v19;
	v16 =	vsub.f32 $1.000000000e+00, v16;
	v22 =	vadd.f32 v22, v22  }
0x24e: {  	v26 =	vld [tilespmem:s25+$0xFFFFFFE0];
	[tilespmem:s29+$0x20] =	vst v20  }
0x24f: {  	v25 =	vld [tilespmem:s31+$0xFFFFFFF0];
	[tilespmem:s29+$0x30] =	vst v16;
	v20 =	vsub.f32 $1.000000000e+00, v22;
	v19 =	vpop (erf)  }
0x250: {  	v24 =	vld [tilespmem:s25+$0xFFFFFFF0];
	v19 =	vadd.f32 v19, v19  }
0x251: {  	v21 =	vmul.f32 v30, v21;
	v23 =	vld [tilespmem:s31+$0x0];
	[tilespmem:s29+$0x40] =	vst v20;
	v16 =	vpop (erf)  }
0x252: {  	v20 =	vld [tilespmem:s25+$0x0];
	v30 =	vpop (erf);
	v19 =	vsub.f32 $1.000000000e+00, v19;
	v16 =	vadd.f32 v16, v16  }
0x253: {  	v29 =	vmul.f32 v29, v31;
	v34 =	vadd.f32 $1.000000000e+00, v21;
	v22 =	vld [tilespmem:s31+$0x10];
	v30 =	vadd.f32 v30, v30  }
0x254: {  	v21 =	vld [tilespmem:s25+$0x10];
	v32 =	vpop (erf);
	[tilespmem:s29+$0x50] =	vst v19;
	v33 =	vsub.f32 $1.000000000e+00, v16  }
0x255: {  	v29 =	vadd.f32 $1.000000000e+00, v29;
	v16 =	vld [tilespmem:s31+$0x20];
	v32 =	vadd.f32 v32, v32;
	(erf) = vrcp.f32 v34  }
0x256: {  	v30 =	vsub.f32 $1.000000000e+00, v30;
	v19 =	vld [tilespmem:s25+$0x20];
	v31 =	vpop (erf);
	[tilespmem:s29+$0x60] =	vst v33;
	s29 =	smov.u32 s26  }
0x257: {  	v33 =	vld [tilespmem:s31+$0xFFFFFFC0];
	(erf) = vrcp.f32 v29;
	v29 =	vadd.f32 v31, v31;
	v31 =	vsub.f32 $1.000000000e+00, v32  }
0x258: {  	v32 =	vld.idx.msk [tilespmem:v28+s2+$0x0], $0xffff;
	[tilespmem:s26+$0xFFFFFF90] =	vst v30  }
0x259: {  	v30 =	vld.idx.msk [tilespmem:v27+s2+$0x0], $0xffff;
	v29 =	vsub.f32 $1.000000000e+00, v29;
	[tilespmem:s26+$0xFFFFFFA0] =	vst v31  }
0x25a: {  	v31 =	vld.idx.msk [tilespmem:v17+s2+$0x0], $0xffff  }
0x25b: {  	v34 =	vld.idx.msk [tilespmem:v18+s2+$0x0], $0xffff;
	[tilespmem:s26+$0xFFFFFF80] =	vst v29  }
0x25c: {  	v29 =	vld.idx.msk [tilespmem:v26+s2+$0x0], $0xffff  }
0x25d: {  	v35 =	vld.idx.msk [tilespmem:v25+s2+$0x0], $0xffff  }
0x25e: {  	v36 =	vld.idx.msk [tilespmem:v24+s2+$0x0], $0xffff;
	v37 =	vpop (erf)  }
0x25f: {  	v38 =	vld.idx.msk [tilespmem:v33+s2+$0x0], $0xffff;
	v37 =	vadd.f32 v37, v37  }
0x260: {  	v30 =	vmul.f32 v31, v30;
	v31 =	vld.idx.msk [tilespmem:v23+s2+$0x0], $0xffff;
	v39 =	vpop (erf)  }
0x261: {  	v40 =	vld.idx.msk [tilespmem:v20+s2+$0x0], $0xffff;
	v39 =	vadd.f32 v39, v39;
	v37 =	vsub.f32 $1.000000000e+00, v37  }
0x262: {  	v30 =	vadd.f32 $1.000000000e+00, v30;
	v29 =	vmul.f32 v29, v34;
	v34 =	vld.idx.msk [tilespmem:v22+s2+$0x0], $0xffff  }
0x263: {  	v41 =	vld.idx.msk [tilespmem:v21+s2+$0x0], $0xffff;
	v39 =	vsub.f32 $1.000000000e+00, v39;
	[tilespmem:s26+$0x70] =	vst v37  }
0x264: {  	s28 =	sadd.s32 $0x100, s28;
	v29 =	vadd.f32 $1.000000000e+00, v29;
	v35 =	vmul.f32 v36, v35;
	v36 =	vld.idx.msk [tilespmem:v16+s2+$0x0], $0xffff;
	(erf) = vrcp.f32 v30  }
0x265: {  	v30 =	vmul.f32 v32, v38;
	v32 =	vld.idx.msk [tilespmem:v19+s2+$0x0], $0xffff;
	[tilespmem:s28+$0xFFFFFFF0] =	vst v39  }
0x266: {  	v35 =	vadd.f32 $1.000000000e+00, v35;
	v37 =	vld.idx.msk [tilespmem:v15+s17+$0x0], $0xffff;
	(erf) = vrcp.f32 v29  }
0x267: {  	v29 =	vadd.f32 $1.000000000e+00, v30;
	v30 =	vmul.f32 v40, v31;
	v31 =	vld.idx.msk [tilespmem:v14+s17+$0x0], $0xffff  }
0x268: {  	(erf) = vrcp.f32 v35;
	v35 =	vld.idx.msk [tilespmem:v1+s18+$0x0], $0xffff  }
0x269: {  	v30 =	vadd.f32 $1.000000000e+00, v30;
	v34 =	vmul.f32 v41, v34;
	(erf) = vrcp.f32 v29;
	v29 =	vld.idx.msk [tilespmem:v2+s18+$0x0], $0xffff  }
0x26a: {  	v38 =	vld.idx.msk [tilespmem:v3+s18+$0x0], $0xffff  }
0x26b: {  	v34 =	vadd.f32 $1.000000000e+00, v34;
	v32 =	vmul.f32 v32, v36;
	(erf) = vrcp.f32 v30;
	v30 =	vld.idx.msk [tilespmem:v9+s18+$0x0], $0xffff  }
0x26c: {  	v36 =	vld.idx.msk [tilespmem:v6+s18+$0x0], $0xffff  }
0x26d: {  	v32 =	vadd.f32 $1.000000000e+00, v32;
	v31 =	vmul.f32 v31, v37;
	v37 =	vpop (erf);
	(erf) = vrcp.f32 v34;
	v34 =	vld.idx.msk [tilespmem:v7+s18+$0x0], $0xffff  }
0x26e: {  	v37 =	vadd.f32 v37, v37;
	v39 =	vld.idx.msk [tilespmem:v12+s18+$0x0], $0xffff  }
0x26f: {  	v31 =	vadd.f32 $1.000000000e+00, v31;
	v29 =	vmul.f32 v29, v35;
	v40 =	vpop (erf);
	(erf) = vrcp.f32 v32;
	v32 =	vld.idx.msk [tilespmem:v11+s18+$0x0], $0xffff  }
0x270: {  	v35 =	vsub.f32 $1.000000000e+00, v37;
	v42 =	vadd.f32 v40, v40;
	v40 =	vld.idx.msk [tilespmem:v13+s19+$0x0], $0xffff;
	v13 =	vmov v33  }
0x271: {  	v41 =	vadd.f32 $1.000000000e+00, v29;
	v30 =	vmul.f32 v30, v38;
	v33 =	vpop (erf);
	(erf) = vrcp.f32 v31;
	v31 =	vld.idx.msk [tilespmem:v10+s19+$0x0], $0xffff  }
0x272: {  	v10 =	vmov v28;
	[tilespmem:s28+$0xFFFFFF90] =	vst v35;
	v38 =	vsub.f32 $1.000000000e+00, v42;
	v33 =	vadd.f32 v33, v33;
	v37 =	vpop (erf);
	v29 =	vld.idx.msk [tilespmem:v8+s19+$0x0], $0xffff  }
0x273: {  	v30 =	vadd.f32 $1.000000000e+00, v30;
	v34 =	vmul.f32 v34, v36;
	v8 =	vmovc v27;
	v28 =	vadd.f32 v37, v37;
	v37 =	vld.idx.msk [tilespmem:v27+s17+$0x0], $0xffff  }
0x274: {  	v27 =	vld.idx.msk [tilespmem:v17+s17+$0x0], $0xffff;
	[tilespmem:s28+$0xFFFFFFA0] =	vst v38;
	v42 =	vsub.f32 $1.000000000e+00, v33;
	v35 =	vpop (erf);
	(erf) = vrcp.f32 v41  }
0x275: {  	v32 =	vmul.f32 v32, v39;
	v28 =	vsub.f32 $1.000000000e+00, v28;
	v36 =	vld.idx.msk [tilespmem:v18+s17+$0x0], $0xffff;
	v35 =	vadd.f32 v35, v35  }
0x276: {  	v34 =	vadd.f32 $1.000000000e+00, v34;
	v38 =	vld.idx.msk [tilespmem:v26+s17+$0x0], $0xffff;
	[tilespmem:s28+$0xFFFFFFB0] =	vst v42;
	v33 =	vpop (erf);
	(erf) = vrcp.f32 v30  }
0x277: {  	v31 =	vmul.f32 v31, v40;
	[tilespmem:s28+$0xFFFFFF80] =	vst v28;
	v28 =	vld.idx.msk [tilespmem:v25+s17+$0x0], $0xffff;
	v30 =	vsub.f32 $1.000000000e+00, v35;
	v33 =	vadd.f32 v33, v33  }
0x278: {  	v32 =	vadd.f32 $1.000000000e+00, v32;
	v35 =	vld.idx.msk [tilespmem:v13+s17+$0x0], $0xffff;
	v39 =	vpop (erf);
	(erf) = vrcp.f32 v34  }
0x279: {  	v34 =	vld.idx.msk [tilespmem:v10+s17+$0x0], $0xffff;
	[tilespmem:s28+$0xFFFFFFC0] =	vst v30;
	v30 =	vsub.f32 $1.000000000e+00, v33;
	v33 =	vadd.f32 v39, v39  }
0x27a: {  	v31 =	vadd.f32 $1.000000000e+00, v31;
	v27 =	vmul.f32 v27, v37;
	v37 =	vld.idx.msk [tilespmem:v24+s17+$0x0], $0xffff;
	v39 =	vpop (erf);
	(erf) = vrcp.f32 v32  }
0x27b: {  	v32 =	vld.idx.msk [tilespmem:v23+s17+$0x0], $0xffff;
	[tilespmem:s28+$0xFFFFFFD0] =	vst v30;
	v30 =	vsub.f32 $1.000000000e+00, v33;
	v39 =	vadd.f32 v39, v39  }
0x27c: {  	v27 =	vadd.f32 $1.000000000e+00, v27;
	v36 =	vmul.f32 v38, v36;
	v38 =	vld.idx.msk [tilespmem:v20+s17+$0x0], $0xffff;
	(erf) = vrcp.f32 v31  }
0x27d: {  	v31 =	vld.idx.msk [tilespmem:v22+s17+$0x0], $0xffff;
	[tilespmem:s28+$0xFFFFFFE0] =	vst v30;
	v40 =	vsub.f32 $1.000000000e+00, v39;
	v33 =	vpop (erf)  }
0x27e: {  	v36 =	vadd.f32 $1.000000000e+00, v36;
	v39 =	vld.idx.msk [tilespmem:v21+s17+$0x0], $0xffff;
	(erf) = vrcp.f32 v27;
	v27 =	vadd.f32 v33, v33  }
0x27f: {  	v33 =	vmul.f32 v34, v35;
	v34 =	vld.idx.msk [tilespmem:v16+s17+$0x0], $0xffff;
	[tilespmem:s28+$0x70] =	vst v40;
	v30 =	vpop (erf)  }
0x280: {  	v28 =	vmul.f32 v37, v28;
	v35 =	vld.idx.msk [tilespmem:v15+s18+$0x0], $0xffff;
	(erf) = vrcp.f32 v36;
	v40 =	vadd.f32 v30, v30  }
0x281: {  	v33 =	vadd.f32 $1.000000000e+00, v33;
	v27 =	vsub.f32 $1.000000000e+00, v27;
	v36 =	vld.idx.msk [tilespmem:v14+s18+$0x0], $0xffff;
	v37 =	vpop (erf)  }
0x282: {  	v28 =	vadd.f32 $1.000000000e+00, v28;
	v41 =	vmul.f32 v38, v32;
	v38 =	vld.idx.msk [tilespmem:v19+s17+$0x0], $0xffff;
	v37 =	vadd.f32 v37, v37  }
0x283: {  	(erf) = vrcp.f32 v33;
	v33 =	vld.idx.msk [tilespmem:v4+s19+$0x0], $0xffff;
	[tilespmem:s26+$0xFFFFFFB0] =	vst v27;
	v27 =	vsub.f32 $1.000000000e+00, v40;
	v30 =	vpop (erf);
	v4 =	vmov v17  }
0x284: {  	v17 =	vadd.f32 $1.000000000e+00, v41;
	v31 =	vmul.f32 v39, v31;
	(erf) = vrcp.f32 v28;
	v28 =	vld.idx.msk [tilespmem:v0+s19+$0x0], $0xffff;
	v0 =	vmovc v18  }
0x285: {  	v30 =	vadd.f32 v30, v30;
	v18 =	vld.idx.msk [tilespmem:v5+s19+$0x0], $0xffff;
	[tilespmem:s26+$0xFFFFFFC0] =	vst v27;
	v27 =	vsub.f32 $1.000000000e+00, v37;
	v32 =	vpop (erf);
	v5 =	vmov v26  }
0x286: {  	v26 =	vadd.f32 $1.000000000e+00, v31;
	(erf) = vrcp.f32 v17;
	v17 =	vadd.f32 v32, v32;
	v31 =	vld.idx.msk [tilespmem:v1+s19+$0x0], $0xffff;
	v1 =	vmovc v25  }
0x287: {  	v36 =	vmul.f32 v36, v35;
	v32 =	vpop (erf);
	v35 =	vld.idx.msk [tilespmem:v2+s19+$0x0], $0xffff;
	[tilespmem:s26+$0xFFFFFFD0] =	vst v27;
	v27 =	vsub.f32 $1.000000000e+00, v30;
	v2 =	vmov v24  }
0x288: {  	v30 =	vmul.f32 v38, v34;
	v24 =	vadd.f32 v32, v32;
	(erf) = vrcp.f32 v26;
	v26 =	vld.idx.msk [tilespmem:v3+s19+$0x0], $0xffff;
	v3 =	vmovc v23  }
0x289: {  	v23 =	vadd.f32 $1.000000000e+00, v36;
	v17 =	vsub.f32 $1.000000000e+00, v17;
	v29 =	vmul.f32 v33, v29;
	v25 =	vpop (erf);
	v32 =	vld.idx.msk [tilespmem:v9+s19+$0x0], $0xffff;
	[tilespmem:s26+$0xFFFFFFE0] =	vst v27  }
0x28a: {  	v27 =	vadd.f32 $1.000000000e+00, v30;
	v9 =	vmovc v20;
	v25 =	vadd.f32 v25, v25;
	v30 =	vld.idx.msk [tilespmem:v6+s19+$0x0], $0xffff;
	v6 =	vmov v22  }
0x28b: {  	v20 =	vsub.f32 $1.000000000e+00, v24;
	(erf) = vrcp.f32 v23;
	[tilespmem:s26+$0x0] =	vst v17;
	v17 =	vmul.f32 v18, v28;
	v22 =	vld.idx.msk [tilespmem:v7+s19+$0x0], $0xffff;
	v7 =	vmovc v21  }
0x28c: {  	v23 =	vadd.f32 $1.000000000e+00, v29;
	v18 =	vsub.f32 $1.000000000e+00, v25;
	v21 =	vpop (erf);
	(erf) = vrcp.f32 v27;
	v25 =	vld.idx.msk [tilespmem:v12+s19+$0x0], $0xffff  }
0x28d: {  	v24 =	vmul.f32 v35, v31;
	v29 =	vadd.f32 v21, v21;
	[tilespmem:s28+$0x10] =	vst v20;
	v12 =	vpop (erf);
	v20 =	vadd.f32 $1.000000000e+00, v17;
	v27 =	vld.idx.msk [tilespmem:v11+s19+$0x0], $0xffff  }
0x28e: {  	v11 =	vmovc v19;
	v17 =	vld.idx.msk [tilespmem:v8+s18+$0x0], $0xffff;
	[tilespmem:s28+$0x20] =	vst v18;
	v31 =	vadd.f32 v12, v12;
	(erf) = vrcp.f32 v23;
	v12 =	vmov v16  }
.Ltmp5:
0x28f: {  	v23 =	vadd.f32 $1.000000000e+00, v24;
	v24 =	vmul.f32 v32, v26;
	v19 =	vsub.f32 $1.000000000e+00, v29;
	v18 =	vld.idx.msk [tilespmem:v4+s18+$0x0], $0xffff;
	v21 =	vpop (erf);
	(pc) =	sbr.rel @p1 .LBB2_6-.Ltmp5, $4  }
0x290: {  	v16 =	vld.idx.msk [tilespmem:v0+s18+$0x0], $0xffff;
	v26 =	vsub.f32 $1.000000000e+00, v31;
	v21 =	vadd.f32 v21, v21;
	(erf) = vrcp.f32 v20  }
0x291: {  	v29 =	vadd.f32 $1.000000000e+00, v24;
	v30 =	vmul.f32 v22, v30;
	[tilespmem:s28+$0x0] =	vst v19;
	v20 =	vld.idx.msk [tilespmem:v5+s18+$0x0], $0xffff;
	v28 =	vpop (erf);
	(erf) = vrcp.f32 v23  }
0x292: {  	v19 =	vld.idx.msk [tilespmem:v13+s18+$0x0], $0xffff;
	[tilespmem:s28+$0x30] =	vst v26;
	v22 =	vsub.f32 $1.000000000e+00, v21;
	v24 =	vadd.f32 v28, v28  }
0x293: {  	s31 =	sadd.s32 $0x80, s31;
	v23 =	vadd.f32 $1.000000000e+00, v30;
	v25 =	vmul.f32 v27, v25;
	v21 =	vld.idx.msk [tilespmem:v10+s18+$0x0], $0xffff;
	(erf) = vrcp.f32 v29  }
.Ltmp6:
0x294: {  	_ = 	snop;
	(pc) =	sbr.rel .LBB2_7-.Ltmp6, $1  }
0x295: {  	_ =	sdelay $0x3  }
.LBB2_9:
0x296: {  	_ =	sfence.sel $0x180000  }
0x297: {  	[bflag:$0x0] =	sbarrier.arrive $0xFFFF  }
0x298: {  	p0 =	sne.s32 s1, $0x0;
	_ =	strace $0x90000047  }
0x299: {  	s0 =	sadd.s32 @!p0 $0x100000, s0;
	[bflag:$0x2] =	sbarrier.arrive $0xFFFF  }
0x29a: {  	[sflag:s0] =	ssyncadd.tile.s32 @!p0 $0x1;
	_ =	shalt  }
.Lfunc_end2:
_tile_overlayer_lowered:
.L_overlay_start_2:
0x29b: {  	(tag) =	ssettag $0x2  }
0x29c: {  	s0 =	rddreg [dreg:$0x0];
	s2 =	stileid.u32  }
0x29d: {  	s1 =	rddreg [dreg:$0x1];
	p0 =	sne.s32 s2, $0x0  }
0x29e: {  	s3 =	rddreg [dreg:$0x2];
	[bflag:$0x3] =	sbarrier.arrive $0xFFFF;
	s2 =	simm.s32 @!p0 $0x1C01  }
0x29f: {  	[timem:s3], [sflag:s2] =	dma.local @!p0 [hbm:s0], s1  }
0x2a0: {  	s0 =	simm.s32 @!p0 $0x1  }
0x2a1: {  	_ =	swait.ge @!p0 [sflag:s0], s1  }
0x2a2: {  	s1 =	ssub.s32 @!p0 $0x0, s1;
	[sflag:s0] =	ssyncset.done @!p0 $0x0  }
0x2a3: {  	[sflag:s0] =	ssyncadd.s32 @!p0 s1  }
0x2a4: {  	[bflag:$0x3] =	sbarrier.arrive $0xFFFF  }
0x2a5: {  	_ =	shalt  }

</sc_bundles>
